<compile_context>
chip_gen: v7x
topology: tpu7x:2x2x1
jax: 0.10.2.dev20260603
libtpu: 0.0.44.dev20260713+nightly
codegen_flags: <defaults>
</compile_context>

<pallas_src>
import functools

import jax
import jax.numpy as jnp
from jax import lax
from jax.experimental import pallas as pl
from jax.experimental.pallas import tpu as pltpu
from jax.experimental.pallas import tpu_sc as plsc

_B, _T, _D, _K = 16, 2048, 256, 1024
_N = _B * _T
_RB = 1024
_NB = _N // _RB

_NC, _NS = 2, 16
_NW = _NC * _NS
_B_PER_W = _N // _NW
_CH = 128
_NCHUNK = _B_PER_W // _CH


def _tc_body(z_ref, c2_ref, m_ref, cbm2_ref, idx_ref, pc_ref, pn_ref):
    zb = z_ref[...]
    cbm2 = cbm2_ref[...]
    dots = lax.dot_general(cbm2, zb, (((1,), (1,)), ((), ())))
    c2 = c2_ref[...]
    z2col = jnp.sum(zb * zb, axis=1, keepdims=True)
    z2 = z2col.T
    dist = (z2 + dots) + c2
    minv = jnp.min(dist, axis=0, keepdims=True)
    kio = lax.broadcasted_iota(jnp.int32, (_K, 1), 0).astype(jnp.float32)
    idxf = jnp.min(jnp.where(dist == minv, kio, float(_K)), axis=0)
    idx = idxf.astype(jnp.int32)
    mrow = m_ref[0, 0, :]
    commit_p = jnp.sum(minv[0] * mrow)
    cnt_p = jnp.sum(mrow)
    idx_ref[0, 0, :] = idx
    pc_ref[0, 0, :] = jnp.full((128,), commit_p, jnp.float32)
    pn_ref[0, 0, :] = jnp.full((128,), cnt_p, jnp.float32)


def _tc_argmin(zf, c2col, maskf, cbm2):
    return pl.pallas_call(
        _tc_body,
        grid=(_NB,),
        in_specs=[
            pl.BlockSpec((_RB, _D), lambda i: (i, 0)),
            pl.BlockSpec((_K, 1), lambda i: (0, 0)),
            pl.BlockSpec((1, 1, _RB), lambda i: (i, 0, 0)),
            pl.BlockSpec((_K, _D), lambda i: (0, 0)),
        ],
        out_specs=[
            pl.BlockSpec((1, 1, _RB), lambda i: (i, 0, 0)),
            pl.BlockSpec((1, 1, 128), lambda i: (i, 0, 0)),
            pl.BlockSpec((1, 1, 128), lambda i: (i, 0, 0)),
        ],
        out_shape=[
            jax.ShapeDtypeStruct((_NB, 1, _RB), jnp.int32),
            jax.ShapeDtypeStruct((_NB, 1, 128), jnp.float32),
            jax.ShapeDtypeStruct((_NB, 1, 128), jnp.float32),
        ],
        compiler_params=pltpu.CompilerParams(
            dimension_semantics=("arbitrary",),
        ),
    )(zf, c2col, maskf, cbm2)


_NBUF = 3


def _sc_gather_body(cb_hbm, idx_hbm, out_hbm, idx_v, rows_v0, rows_v1,
                    rows_v2, gsem0, gsem1, gsem2, ssem0, ssem1, ssem2):
    wid = lax.axis_index("s") * _NC + lax.axis_index("c")
    base = wid * _B_PER_W
    rows_v = (rows_v0, rows_v1, rows_v2)
    gsem = (gsem0, gsem1, gsem2)
    ssem = (ssem0, ssem1, ssem2)
    pltpu.sync_copy(idx_hbm.at[pl.ds(base, _B_PER_W)], idx_v)
    gd = [None] * _NBUF
    sd = [None] * _NBUF
    for b in range(2):
        gd[b] = pltpu.async_copy(cb_hbm.at[idx_v.at[pl.ds(b * _CH, _CH)]],
                                 rows_v[b], gsem[b])
    for c in range(_NCHUNK):
        cur = c % _NBUF
        pre = c + 2
        if pre < _NCHUNK:
            pb = pre % _NBUF
            if sd[pb] is not None:
                sd[pb].wait()
            gd[pb] = pltpu.async_copy(
                cb_hbm.at[idx_v.at[pl.ds(pre * _CH, _CH)]], rows_v[pb],
                gsem[pb])
        gd[cur].wait()
        sd[cur] = pltpu.async_copy(rows_v[cur],
                                   out_hbm.at[pl.ds(base + c * _CH, _CH)],
                                   ssem[cur])
    for b in range(_NBUF):
        if sd[b] is not None:
            sd[b].wait()


@functools.lru_cache(maxsize=1)
def _sc_gather_kernel():
    return pl.kernel(
        _sc_gather_body,
        out_type=jax.ShapeDtypeStruct((_N, _D), jnp.float32),
        mesh=plsc.VectorSubcoreMesh(core_axis_name="c", subcore_axis_name="s",
                                    num_cores=_NC, num_subcores=_NS),
        scratch_types=[
            pltpu.VMEM((_B_PER_W,), jnp.int32),
            pltpu.VMEM((_CH, _D), jnp.float32),
            pltpu.VMEM((_CH, _D), jnp.float32),
            pltpu.VMEM((_CH, _D), jnp.float32),
            pltpu.SemaphoreType.DMA,
            pltpu.SemaphoreType.DMA,
            pltpu.SemaphoreType.DMA,
            pltpu.SemaphoreType.DMA,
            pltpu.SemaphoreType.DMA,
            pltpu.SemaphoreType.DMA,
        ],
    )


def kernel(z, mask, codebook):
    zf = z.reshape(_N, _D)
    c2col = jnp.sum(codebook * codebook, axis=-1).reshape(_K, 1)
    cbm2 = codebook * -2.0
    maskf = mask.astype(z.dtype).reshape(_NB, 1, _RB)
    idx3, pc, pn = _tc_argmin(zf, c2col, maskf, cbm2)
    idx = idx3.reshape(_N)
    quantized = _sc_gather_kernel()(codebook, idx)
    cnt = jnp.sum(pn[:, 0, 0])
    denom = jnp.maximum(cnt, 1.0) * _D
    commit_loss = jnp.sum(pc[:, 0, 0]) / denom
    return quantized.reshape(_B, _T, _D), idx.reshape(_B, _T), commit_loss

# --- scband reference (transcript-rebuilt; emitter-appended) ---
"""Pipeline reference for scband-vqaudio-quantizer-11922829214091 (READ-ONLY COPY).

The authoritative reference and input builder live on the scoring server;
editing this copy changes nothing except your own understanding.
"""

import jax, jax.numpy as jnp
import numpy as np

B, T, D, K = 16, 2048, 256, 1024
COMMITMENT_WEIGHT = 1.0

def setup_inputs(seed: int = 0) -> dict:
    key = jax.random.key(seed)
    k1, k2 = jax.random.split(key)
    z = jax.random.normal(k1, (B, T, D), dtype=jnp.float32)
    mask = jnp.ones((B, T), dtype=bool)
    codebook = jax.random.normal(k2, (K, D), dtype=jnp.float32) * 0.02
    return {"z": z, "mask": mask, "codebook": codebook}

def reference(z, mask, codebook):
    # Squared euclidean distance from each frame to each codebook entry
    z2 = jnp.sum(z * z, axis=-1, keepdims=True)            # [B, T, 1]
    c2 = jnp.sum(codebook * codebook, axis=-1)             # [K]
    dots = jnp.einsum('btd,kd->btk', z, codebook)          # [B, T, K]
    dist = z2 - 2.0 * dots + c2[None, None, :]             # [B, T, K]
    indices = jnp.argmin(dist, axis=-1)                    # [B, T] int
    quantized = jnp.take(codebook, indices, axis=0)        # [B, T, D] gather
    # Straight-through estimator
    quantized_st = z + jax.lax.stop_gradient(quantized - z)
    # Masked commitment loss (mean over masked frames and feature dim)
    maskf = mask.astype(z.dtype)[..., None]                # [B, T, 1]
    denom = jnp.maximum(jnp.sum(maskf), 1.0) * z.shape[-1]
    commit = jnp.sum(((z - jax.lax.stop_gradient(quantized)) ** 2) * maskf) / denom
    commit_loss = commit * COMMITMENT_WEIGHT
    sum_commit_loss = jnp.sum(commit_loss)
    return quantized_st, indices, sum_commit_loss

if __name__ == "__main__":
    import jax
    _d = setup_inputs()
    print(jax.jit(kernel)(*tuple(_d.values())))

</pallas_src>

<mosaic_0001>
#map = affine_map<(d0, d1) -> (0, 0)>
#map1 = affine_map<(d0, d1) -> (0)>
module attributes {stable_mosaic.version = 14 : i64} {
  func.func @_sc_gather_body(%arg0: i32, %arg1: i32, %arg2: memref<1024x256xf32, #tpu.memory_space<hbm>>, %arg3: memref<32768xi32, #tpu.memory_space<hbm>>, %arg4: memref<32768x256xf32, #tpu.memory_space<hbm>>, %arg5: memref<1024xi32, #tpu.memory_space<vmem>>, %arg6: memref<128x256xf32, #tpu.memory_space<vmem>>, %arg7: memref<128x256xf32, #tpu.memory_space<vmem>>, %arg8: memref<128x256xf32, #tpu.memory_space<vmem>>, %arg9: memref<!tpu.dma_semaphore, #tpu.memory_space<semaphore_mem>>, %arg10: memref<!tpu.dma_semaphore, #tpu.memory_space<semaphore_mem>>, %arg11: memref<!tpu.dma_semaphore, #tpu.memory_space<semaphore_mem>>, %arg12: memref<!tpu.dma_semaphore, #tpu.memory_space<semaphore_mem>>, %arg13: memref<!tpu.dma_semaphore, #tpu.memory_space<semaphore_mem>>, %arg14: memref<!tpu.dma_semaphore, #tpu.memory_space<semaphore_mem>>) attributes {dimension_semantics = [#tpu.dimension_semantics<core_parallel>, #tpu.dimension_semantics<subcore_parallel>], iteration_bounds = array<i64: 2, 16>, scalar_prefetch = 0 : i64, scratch_operands = 10 : i64, tpu.core_type = #tpu.core_type<sc_vector_subcore>, window_params = [{transform_indices = #map}, {transform_indices = #map1}, {transform_indices = #map}]} {
    %mul3A = arith.constant 2 : i32
    %mul3A_0 = arith.muli %arg1, %mul3A : i32
    %add3A = arith.addi %mul3A_0, %arg0 : i32
    %mul3A_1 = arith.constant 1024 : i32
    %mul3A_2 = arith.muli %add3A, %mul3A_1 : i32
    "tpu.region"() ({
      %run_scoped3A = tpu.sem_alloc : memref<!tpu.dma_semaphore, #tpu.memory_space<semaphore_mem>>
      %dma_start3A_161 = tpu.memref_slice %arg3[%mul3A_2] : memref<32768xi32, #tpu.memory_space<hbm>> -> memref<1024xi32, #tpu.memory_space<hbm>>
      %dma_start3A_162 = tpu.memref_slice %arg3[%mul3A_2] : memref<32768xi32, #tpu.memory_space<hbm>> -> memref<1024xi32, #tpu.memory_space<hbm>>
      tpu.enqueue_dma source(%dma_start3A_162 : memref<1024xi32, #tpu.memory_space<hbm>>) target(%arg5 : memref<1024xi32, #tpu.memory_space<vmem>>) target_semaphore(%run_scoped3A : memref<!tpu.dma_semaphore, #tpu.memory_space<semaphore_mem>>)
      %dma_wait3A_163 = tpu.memref_slice %arg3[%mul3A_2] : memref<32768xi32, #tpu.memory_space<hbm>> -> memref<1024xi32, #tpu.memory_space<hbm>>
      %dma_wait3A_164 = tpu.memref_slice %arg3[%mul3A_2] : memref<32768xi32, #tpu.memory_space<hbm>> -> memref<1024xi32, #tpu.memory_space<hbm>>
      tpu.wait_dma2 semaphore(%run_scoped3A : memref<!tpu.dma_semaphore, #tpu.memory_space<semaphore_mem>>) src(%dma_wait3A_164 : memref<1024xi32, #tpu.memory_space<hbm>>) dst(%arg5 : memref<1024xi32, #tpu.memory_space<vmem>>)
      tpu.yield
    }) : () -> ()
    %dma_start3A = arith.constant 0 : i32
    %dma_start3A_3 = tpu.memref_slice %arg5[%dma_start3A] : memref<1024xi32, #tpu.memory_space<vmem>> -> memref<128xi32, #tpu.memory_space<vmem>>
    %dma_start3A_4 = arith.constant 0 : i32
    %dma_start3A_5 = arith.constant 0 : i32
    %dma_start3A_6 = tpu.memref_slice %arg2[%dma_start3A_4, %dma_start3A_5] : memref<1024x256xf32, #tpu.memory_space<hbm>> -> memref<1024x256xf32, #tpu.memory_space<hbm>>
    tpu.enqueue_indirect_dma source(%dma_start3A_6 : memref<1024x256xf32, #tpu.memory_space<hbm>>) target(%arg6 : memref<128x256xf32, #tpu.memory_space<vmem>>) offsets(%dma_start3A_3 : memref<128xi32, #tpu.memory_space<vmem>>) semaphore(%arg9 : memref<!tpu.dma_semaphore, #tpu.memory_space<semaphore_mem>>)
    %dma_start3A_7 = arith.constant 128 : i32
    %dma_start3A_8 = tpu.memref_slice %arg5[%dma_start3A_7] : memref<1024xi32, #tpu.memory_space<vmem>> -> memref<128xi32, #tpu.memory_space<vmem>>
    %dma_start3A_9 = arith.constant 0 : i32
    %dma_start3A_10 = arith.constant 0 : i32
    %dma_start3A_11 = tpu.memref_slice %arg2[%dma_start3A_9, %dma_start3A_10] : memref<1024x256xf32, #tpu.memory_space<hbm>> -> memref<1024x256xf32, #tpu.memory_space<hbm>>
    tpu.enqueue_indirect_dma source(%dma_start3A_11 : memref<1024x256xf32, #tpu.memory_space<hbm>>) target(%arg7 : memref<128x256xf32, #tpu.memory_space<vmem>>) offsets(%dma_start3A_8 : memref<128xi32, #tpu.memory_space<vmem>>) semaphore(%arg10 : memref<!tpu.dma_semaphore, #tpu.memory_space<semaphore_mem>>)
    %dma_start3A_12 = arith.constant 256 : i32
    %dma_start3A_13 = tpu.memref_slice %arg5[%dma_start3A_12] : memref<1024xi32, #tpu.memory_space<vmem>> -> memref<128xi32, #tpu.memory_space<vmem>>
    %dma_start3A_14 = arith.constant 0 : i32
    %dma_start3A_15 = arith.constant 0 : i32
    %dma_start3A_16 = tpu.memref_slice %arg2[%dma_start3A_14, %dma_start3A_15] : memref<1024x256xf32, #tpu.memory_space<hbm>> -> memref<1024x256xf32, #tpu.memory_space<hbm>>
    tpu.enqueue_indirect_dma source(%dma_start3A_16 : memref<1024x256xf32, #tpu.memory_space<hbm>>) target(%arg8 : memref<128x256xf32, #tpu.memory_space<vmem>>) offsets(%dma_start3A_13 : memref<128xi32, #tpu.memory_space<vmem>>) semaphore(%arg11 : memref<!tpu.dma_semaphore, #tpu.memory_space<semaphore_mem>>)
    %dma_wait3A = arith.constant 0 : i32
    %dma_wait3A_17 = tpu.memref_slice %arg5[%dma_wait3A] : memref<1024xi32, #tpu.memory_space<vmem>> -> memref<128xi32, #tpu.memory_space<vmem>>
    %dma_wait3A_18 = arith.constant 0 : i32
    %dma_wait3A_19 = arith.constant 0 : i32
    %dma_wait3A_20 = tpu.memref_slice %arg2[%dma_wait3A_18, %dma_wait3A_19] : memref<1024x256xf32, #tpu.memory_space<hbm>> -> memref<1024x256xf32, #tpu.memory_space<hbm>>
    tpu.wait_indirect_dma semaphore(%arg9 : memref<!tpu.dma_semaphore, #tpu.memory_space<semaphore_mem>>) src(%dma_wait3A_20 : memref<1024x256xf32, #tpu.memory_space<hbm>>) dst(%arg6 : memref<128x256xf32, #tpu.memory_space<vmem>>)
    %add3A_21 = arith.constant 0 : i32
    %add3A_22 = arith.addi %mul3A_2, %add3A_21 : i32
    %dma_start3A_23 = arith.constant 0 : i32
    %dma_start3A_24 = tpu.memref_slice %arg4[%add3A_22, %dma_start3A_23] : memref<32768x256xf32, #tpu.memory_space<hbm>> -> memref<128x256xf32, #tpu.memory_space<hbm>>
    %dma_start3A_25 = arith.constant 0 : i32
    %dma_start3A_26 = tpu.memref_slice %arg4[%add3A_22, %dma_start3A_25] : memref<32768x256xf32, #tpu.memory_space<hbm>> -> memref<128x256xf32, #tpu.memory_space<hbm>>
    tpu.enqueue_dma source(%arg6 : memref<128x256xf32, #tpu.memory_space<vmem>>) target(%dma_start3A_26 : memref<128x256xf32, #tpu.memory_space<hbm>>) target_semaphore(%arg12 : memref<!tpu.dma_semaphore, #tpu.memory_space<semaphore_mem>>)
    %dma_wait3A_27 = arith.constant 0 : i32
    %dma_wait3A_28 = tpu.memref_slice %arg4[%add3A_22, %dma_wait3A_27] : memref<32768x256xf32, #tpu.memory_space<hbm>> -> memref<128x256xf32, #tpu.memory_space<hbm>>
    %dma_wait3A_29 = arith.constant 0 : i32
    %dma_wait3A_30 = tpu.memref_slice %arg4[%add3A_22, %dma_wait3A_29] : memref<32768x256xf32, #tpu.memory_space<hbm>> -> memref<128x256xf32, #tpu.memory_space<hbm>>
    tpu.wait_dma2 semaphore(%arg12 : memref<!tpu.dma_semaphore, #tpu.memory_space<semaphore_mem>>) src(%arg6 : memref<128x256xf32, #tpu.memory_space<vmem>>) dst(%dma_wait3A_30 : memref<128x256xf32, #tpu.memory_space<hbm>>)
    %dma_start3A_31 = arith.constant 384 : i32
    %dma_start3A_32 = tpu.memref_slice %arg5[%dma_start3A_31] : memref<1024xi32, #tpu.memory_space<vmem>> -> memref<128xi32, #tpu.memory_space<vmem>>
    %dma_start3A_33 = arith.constant 0 : i32
    %dma_start3A_34 = arith.constant 0 : i32
    %dma_start3A_35 = tpu.memref_slice %arg2[%dma_start3A_33, %dma_start3A_34] : memref<1024x256xf32, #tpu.memory_space<hbm>> -> memref<1024x256xf32, #tpu.memory_space<hbm>>
    tpu.enqueue_indirect_dma source(%dma_start3A_35 : memref<1024x256xf32, #tpu.memory_space<hbm>>) target(%arg6 : memref<128x256xf32, #tpu.memory_space<vmem>>) offsets(%dma_start3A_32 : memref<128xi32, #tpu.memory_space<vmem>>) semaphore(%arg9 : memref<!tpu.dma_semaphore, #tpu.memory_space<semaphore_mem>>)
    %dma_wait3A_36 = arith.constant 128 : i32
    %dma_wait3A_37 = tpu.memref_slice %arg5[%dma_wait3A_36] : memref<1024xi32, #tpu.memory_space<vmem>> -> memref<128xi32, #tpu.memory_space<vmem>>
    %dma_wait3A_38 = arith.constant 0 : i32
    %dma_wait3A_39 = arith.constant 0 : i32
    %dma_wait3A_40 = tpu.memref_slice %arg2[%dma_wait3A_38, %dma_wait3A_39] : memref<1024x256xf32, #tpu.memory_space<hbm>> -> memref<1024x256xf32, #tpu.memory_space<hbm>>
    tpu.wait_indirect_dma semaphore(%arg10 : memref<!tpu.dma_semaphore, #tpu.memory_space<semaphore_mem>>) src(%dma_wait3A_40 : memref<1024x256xf32, #tpu.memory_space<hbm>>) dst(%arg7 : memref<128x256xf32, #tpu.memory_space<vmem>>)
    %add3A_41 = arith.constant 128 : i32
    %add3A_42 = arith.addi %mul3A_2, %add3A_41 : i32
    %dma_start3A_43 = arith.constant 0 : i32
    %dma_start3A_44 = tpu.memref_slice %arg4[%add3A_42, %dma_start3A_43] : memref<32768x256xf32, #tpu.memory_space<hbm>> -> memref<128x256xf32, #tpu.memory_space<hbm>>
    %dma_start3A_45 = arith.constant 0 : i32
    %dma_start3A_46 = tpu.memref_slice %arg4[%add3A_42, %dma_start3A_45] : memref<32768x256xf32, #tpu.memory_space<hbm>> -> memref<128x256xf32, #tpu.memory_space<hbm>>
    tpu.enqueue_dma source(%arg7 : memref<128x256xf32, #tpu.memory_space<vmem>>) target(%dma_start3A_46 : memref<128x256xf32, #tpu.memory_space<hbm>>) target_semaphore(%arg13 : memref<!tpu.dma_semaphore, #tpu.memory_space<semaphore_mem>>)
    %dma_wait3A_47 = arith.constant 0 : i32
    %dma_wait3A_48 = tpu.memref_slice %arg4[%add3A_42, %dma_wait3A_47] : memref<32768x256xf32, #tpu.memory_space<hbm>> -> memref<128x256xf32, #tpu.memory_space<hbm>>
    %dma_wait3A_49 = arith.constant 0 : i32
    %dma_wait3A_50 = tpu.memref_slice %arg4[%add3A_42, %dma_wait3A_49] : memref<32768x256xf32, #tpu.memory_space<hbm>> -> memref<128x256xf32, #tpu.memory_space<hbm>>
    tpu.wait_dma2 semaphore(%arg13 : memref<!tpu.dma_semaphore, #tpu.memory_space<semaphore_mem>>) src(%arg7 : memref<128x256xf32, #tpu.memory_space<vmem>>) dst(%dma_wait3A_50 : memref<128x256xf32, #tpu.memory_space<hbm>>)
    %dma_start3A_51 = arith.constant 512 : i32
    %dma_start3A_52 = tpu.memref_slice %arg5[%dma_start3A_51] : memref<1024xi32, #tpu.memory_space<vmem>> -> memref<128xi32, #tpu.memory_space<vmem>>
    %dma_start3A_53 = arith.constant 0 : i32
    %dma_start3A_54 = arith.constant 0 : i32
    %dma_start3A_55 = tpu.memref_slice %arg2[%dma_start3A_53, %dma_start3A_54] : memref<1024x256xf32, #tpu.memory_space<hbm>> -> memref<1024x256xf32, #tpu.memory_space<hbm>>
    tpu.enqueue_indirect_dma source(%dma_start3A_55 : memref<1024x256xf32, #tpu.memory_space<hbm>>) target(%arg7 : memref<128x256xf32, #tpu.memory_space<vmem>>) offsets(%dma_start3A_52 : memref<128xi32, #tpu.memory_space<vmem>>) semaphore(%arg10 : memref<!tpu.dma_semaphore, #tpu.memory_space<semaphore_mem>>)
    %dma_wait3A_56 = arith.constant 256 : i32
    %dma_wait3A_57 = tpu.memref_slice %arg5[%dma_wait3A_56] : memref<1024xi32, #tpu.memory_space<vmem>> -> memref<128xi32, #tpu.memory_space<vmem>>
    %dma_wait3A_58 = arith.constant 0 : i32
    %dma_wait3A_59 = arith.constant 0 : i32
    %dma_wait3A_60 = tpu.memref_slice %arg2[%dma_wait3A_58, %dma_wait3A_59] : memref<1024x256xf32, #tpu.memory_space<hbm>> -> memref<1024x256xf32, #tpu.memory_space<hbm>>
    tpu.wait_indirect_dma semaphore(%arg11 : memref<!tpu.dma_semaphore, #tpu.memory_space<semaphore_mem>>) src(%dma_wait3A_60 : memref<1024x256xf32, #tpu.memory_space<hbm>>) dst(%arg8 : memref<128x256xf32, #tpu.memory_space<vmem>>)
    %add3A_61 = arith.constant 256 : i32
    %add3A_62 = arith.addi %mul3A_2, %add3A_61 : i32
    %dma_start3A_63 = arith.constant 0 : i32
    %dma_start3A_64 = tpu.memref_slice %arg4[%add3A_62, %dma_start3A_63] : memref<32768x256xf32, #tpu.memory_space<hbm>> -> memref<128x256xf32, #tpu.memory_space<hbm>>
    %dma_start3A_65 = arith.constant 0 : i32
    %dma_start3A_66 = tpu.memref_slice %arg4[%add3A_62, %dma_start3A_65] : memref<32768x256xf32, #tpu.memory_space<hbm>> -> memref<128x256xf32, #tpu.memory_space<hbm>>
    tpu.enqueue_dma source(%arg8 : memref<128x256xf32, #tpu.memory_space<vmem>>) target(%dma_start3A_66 : memref<128x256xf32, #tpu.memory_space<hbm>>) target_semaphore(%arg14 : memref<!tpu.dma_semaphore, #tpu.memory_space<semaphore_mem>>)
    %dma_wait3A_67 = arith.constant 0 : i32
    %dma_wait3A_68 = tpu.memref_slice %arg4[%add3A_62, %dma_wait3A_67] : memref<32768x256xf32, #tpu.memory_space<hbm>> -> memref<128x256xf32, #tpu.memory_space<hbm>>
    %dma_wait3A_69 = arith.constant 0 : i32
    %dma_wait3A_70 = tpu.memref_slice %arg4[%add3A_62, %dma_wait3A_69] : memref<32768x256xf32, #tpu.memory_space<hbm>> -> memref<128x256xf32, #tpu.memory_space<hbm>>
    tpu.wait_dma2 semaphore(%arg14 : memref<!tpu.dma_semaphore, #tpu.memory_space<semaphore_mem>>) src(%arg8 : memref<128x256xf32, #tpu.memory_space<vmem>>) dst(%dma_wait3A_70 : memref<128x256xf32, #tpu.memory_space<hbm>>)
    %dma_start3A_71 = arith.constant 640 : i32
    %dma_start3A_72 = tpu.memref_slice %arg5[%dma_start3A_71] : memref<1024xi32, #tpu.memory_space<vmem>> -> memref<128xi32, #tpu.memory_space<vmem>>
    %dma_start3A_73 = arith.constant 0 : i32
    %dma_start3A_74 = arith.constant 0 : i32
    %dma_start3A_75 = tpu.memref_slice %arg2[%dma_start3A_73, %dma_start3A_74] : memref<1024x256xf32, #tpu.memory_space<hbm>> -> memref<1024x256xf32, #tpu.memory_space<hbm>>
    tpu.enqueue_indirect_dma source(%dma_start3A_75 : memref<1024x256xf32, #tpu.memory_space<hbm>>) target(%arg8 : memref<128x256xf32, #tpu.memory_space<vmem>>) offsets(%dma_start3A_72 : memref<128xi32, #tpu.memory_space<vmem>>) semaphore(%arg11 : memref<!tpu.dma_semaphore, #tpu.memory_space<semaphore_mem>>)
    %dma_wait3A_76 = arith.constant 384 : i32
    %dma_wait3A_77 = tpu.memref_slice %arg5[%dma_wait3A_76] : memref<1024xi32, #tpu.memory_space<vmem>> -> memref<128xi32, #tpu.memory_space<vmem>>
    %dma_wait3A_78 = arith.constant 0 : i32
    %dma_wait3A_79 = arith.constant 0 : i32
    %dma_wait3A_80 = tpu.memref_slice %arg2[%dma_wait3A_78, %dma_wait3A_79] : memref<1024x256xf32, #tpu.memory_space<hbm>> -> memref<1024x256xf32, #tpu.memory_space<hbm>>
    tpu.wait_indirect_dma semaphore(%arg9 : memref<!tpu.dma_semaphore, #tpu.memory_space<semaphore_mem>>) src(%dma_wait3A_80 : memref<1024x256xf32, #tpu.memory_space<hbm>>) dst(%arg6 : memref<128x256xf32, #tpu.memory_space<vmem>>)
    %add3A_81 = arith.constant 384 : i32
    %add3A_82 = arith.addi %mul3A_2, %add3A_81 : i32
    %dma_start3A_83 = arith.constant 0 : i32
    %dma_start3A_84 = tpu.memref_slice %arg4[%add3A_82, %dma_start3A_83] : memref<32768x256xf32, #tpu.memory_space<hbm>> -> memref<128x256xf32, #tpu.memory_space<hbm>>
    %dma_start3A_85 = arith.constant 0 : i32
    %dma_start3A_86 = tpu.memref_slice %arg4[%add3A_82, %dma_start3A_85] : memref<32768x256xf32, #tpu.memory_space<hbm>> -> memref<128x256xf32, #tpu.memory_space<hbm>>
    tpu.enqueue_dma source(%arg6 : memref<128x256xf32, #tpu.memory_space<vmem>>) target(%dma_start3A_86 : memref<128x256xf32, #tpu.memory_space<hbm>>) target_semaphore(%arg12 : memref<!tpu.dma_semaphore, #tpu.memory_space<semaphore_mem>>)
    %dma_wait3A_87 = arith.constant 0 : i32
    %dma_wait3A_88 = tpu.memref_slice %arg4[%add3A_82, %dma_wait3A_87] : memref<32768x256xf32, #tpu.memory_space<hbm>> -> memref<128x256xf32, #tpu.memory_space<hbm>>
    %dma_wait3A_89 = arith.constant 0 : i32
    %dma_wait3A_90 = tpu.memref_slice %arg4[%add3A_82, %dma_wait3A_89] : memref<32768x256xf32, #tpu.memory_space<hbm>> -> memref<128x256xf32, #tpu.memory_space<hbm>>
    tpu.wait_dma2 semaphore(%arg12 : memref<!tpu.dma_semaphore, #tpu.memory_space<semaphore_mem>>) src(%arg6 : memref<128x256xf32, #tpu.memory_space<vmem>>) dst(%dma_wait3A_90 : memref<128x256xf32, #tpu.memory_space<hbm>>)
    %dma_start3A_91 = arith.constant 768 : i32
    %dma_start3A_92 = tpu.memref_slice %arg5[%dma_start3A_91] : memref<1024xi32, #tpu.memory_space<vmem>> -> memref<128xi32, #tpu.memory_space<vmem>>
    %dma_start3A_93 = arith.constant 0 : i32
    %dma_start3A_94 = arith.constant 0 : i32
    %dma_start3A_95 = tpu.memref_slice %arg2[%dma_start3A_93, %dma_start3A_94] : memref<1024x256xf32, #tpu.memory_space<hbm>> -> memref<1024x256xf32, #tpu.memory_space<hbm>>
    tpu.enqueue_indirect_dma source(%dma_start3A_95 : memref<1024x256xf32, #tpu.memory_space<hbm>>) target(%arg6 : memref<128x256xf32, #tpu.memory_space<vmem>>) offsets(%dma_start3A_92 : memref<128xi32, #tpu.memory_space<vmem>>) semaphore(%arg9 : memref<!tpu.dma_semaphore, #tpu.memory_space<semaphore_mem>>)
    %dma_wait3A_96 = arith.constant 512 : i32
    %dma_wait3A_97 = tpu.memref_slice %arg5[%dma_wait3A_96] : memref<1024xi32, #tpu.memory_space<vmem>> -> memref<128xi32, #tpu.memory_space<vmem>>
    %dma_wait3A_98 = arith.constant 0 : i32
    %dma_wait3A_99 = arith.constant 0 : i32
    %dma_wait3A_100 = tpu.memref_slice %arg2[%dma_wait3A_98, %dma_wait3A_99] : memref<1024x256xf32, #tpu.memory_space<hbm>> -> memref<1024x256xf32, #tpu.memory_space<hbm>>
    tpu.wait_indirect_dma semaphore(%arg10 : memref<!tpu.dma_semaphore, #tpu.memory_space<semaphore_mem>>) src(%dma_wait3A_100 : memref<1024x256xf32, #tpu.memory_space<hbm>>) dst(%arg7 : memref<128x256xf32, #tpu.memory_space<vmem>>)
    %add3A_101 = arith.constant 512 : i32
    %add3A_102 = arith.addi %mul3A_2, %add3A_101 : i32
    %dma_start3A_103 = arith.constant 0 : i32
    %dma_start3A_104 = tpu.memref_slice %arg4[%add3A_102, %dma_start3A_103] : memref<32768x256xf32, #tpu.memory_space<hbm>> -> memref<128x256xf32, #tpu.memory_space<hbm>>
    %dma_start3A_105 = arith.constant 0 : i32
    %dma_start3A_106 = tpu.memref_slice %arg4[%add3A_102, %dma_start3A_105] : memref<32768x256xf32, #tpu.memory_space<hbm>> -> memref<128x256xf32, #tpu.memory_space<hbm>>
    tpu.enqueue_dma source(%arg7 : memref<128x256xf32, #tpu.memory_space<vmem>>) target(%dma_start3A_106 : memref<128x256xf32, #tpu.memory_space<hbm>>) target_semaphore(%arg13 : memref<!tpu.dma_semaphore, #tpu.memory_space<semaphore_mem>>)
    %dma_wait3A_107 = arith.constant 0 : i32
    %dma_wait3A_108 = tpu.memref_slice %arg4[%add3A_102, %dma_wait3A_107] : memref<32768x256xf32, #tpu.memory_space<hbm>> -> memref<128x256xf32, #tpu.memory_space<hbm>>
    %dma_wait3A_109 = arith.constant 0 : i32
    %dma_wait3A_110 = tpu.memref_slice %arg4[%add3A_102, %dma_wait3A_109] : memref<32768x256xf32, #tpu.memory_space<hbm>> -> memref<128x256xf32, #tpu.memory_space<hbm>>
    tpu.wait_dma2 semaphore(%arg13 : memref<!tpu.dma_semaphore, #tpu.memory_space<semaphore_mem>>) src(%arg7 : memref<128x256xf32, #tpu.memory_space<vmem>>) dst(%dma_wait3A_110 : memref<128x256xf32, #tpu.memory_space<hbm>>)
    %dma_start3A_111 = arith.constant 896 : i32
    %dma_start3A_112 = tpu.memref_slice %arg5[%dma_start3A_111] : memref<1024xi32, #tpu.memory_space<vmem>> -> memref<128xi32, #tpu.memory_space<vmem>>
    %dma_start3A_113 = arith.constant 0 : i32
    %dma_start3A_114 = arith.constant 0 : i32
    %dma_start3A_115 = tpu.memref_slice %arg2[%dma_start3A_113, %dma_start3A_114] : memref<1024x256xf32, #tpu.memory_space<hbm>> -> memref<1024x256xf32, #tpu.memory_space<hbm>>
    tpu.enqueue_indirect_dma source(%dma_start3A_115 : memref<1024x256xf32, #tpu.memory_space<hbm>>) target(%arg7 : memref<128x256xf32, #tpu.memory_space<vmem>>) offsets(%dma_start3A_112 : memref<128xi32, #tpu.memory_space<vmem>>) semaphore(%arg10 : memref<!tpu.dma_semaphore, #tpu.memory_space<semaphore_mem>>)
    %dma_wait3A_116 = arith.constant 640 : i32
    %dma_wait3A_117 = tpu.memref_slice %arg5[%dma_wait3A_116] : memref<1024xi32, #tpu.memory_space<vmem>> -> memref<128xi32, #tpu.memory_space<vmem>>
    %dma_wait3A_118 = arith.constant 0 : i32
    %dma_wait3A_119 = arith.constant 0 : i32
    %dma_wait3A_120 = tpu.memref_slice %arg2[%dma_wait3A_118, %dma_wait3A_119] : memref<1024x256xf32, #tpu.memory_space<hbm>> -> memref<1024x256xf32, #tpu.memory_space<hbm>>
    tpu.wait_indirect_dma semaphore(%arg11 : memref<!tpu.dma_semaphore, #tpu.memory_space<semaphore_mem>>) src(%dma_wait3A_120 : memref<1024x256xf32, #tpu.memory_space<hbm>>) dst(%arg8 : memref<128x256xf32, #tpu.memory_space<vmem>>)
    %add3A_121 = arith.constant 640 : i32
    %add3A_122 = arith.addi %mul3A_2, %add3A_121 : i32
    %dma_start3A_123 = arith.constant 0 : i32
    %dma_start3A_124 = tpu.memref_slice %arg4[%add3A_122, %dma_start3A_123] : memref<32768x256xf32, #tpu.memory_space<hbm>> -> memref<128x256xf32, #tpu.memory_space<hbm>>
    %dma_start3A_125 = arith.constant 0 : i32
    %dma_start3A_126 = tpu.memref_slice %arg4[%add3A_122, %dma_start3A_125] : memref<32768x256xf32, #tpu.memory_space<hbm>> -> memref<128x256xf32, #tpu.memory_space<hbm>>
    tpu.enqueue_dma source(%arg8 : memref<128x256xf32, #tpu.memory_space<vmem>>) target(%dma_start3A_126 : memref<128x256xf32, #tpu.memory_space<hbm>>) target_semaphore(%arg14 : memref<!tpu.dma_semaphore, #tpu.memory_space<semaphore_mem>>)
    %dma_wait3A_127 = arith.constant 768 : i32
    %dma_wait3A_128 = tpu.memref_slice %arg5[%dma_wait3A_127] : memref<1024xi32, #tpu.memory_space<vmem>> -> memref<128xi32, #tpu.memory_space<vmem>>
    %dma_wait3A_129 = arith.constant 0 : i32
    %dma_wait3A_130 = arith.constant 0 : i32
    %dma_wait3A_131 = tpu.memref_slice %arg2[%dma_wait3A_129, %dma_wait3A_130] : memref<1024x256xf32, #tpu.memory_space<hbm>> -> memref<1024x256xf32, #tpu.memory_space<hbm>>
    tpu.wait_indirect_dma semaphore(%arg9 : memref<!tpu.dma_semaphore, #tpu.memory_space<semaphore_mem>>) src(%dma_wait3A_131 : memref<1024x256xf32, #tpu.memory_space<hbm>>) dst(%arg6 : memref<128x256xf32, #tpu.memory_space<vmem>>)
    %add3A_132 = arith.constant 768 : i32
    %add3A_133 = arith.addi %mul3A_2, %add3A_132 : i32
    %dma_start3A_134 = arith.constant 0 : i32
    %dma_start3A_135 = tpu.memref_slice %arg4[%add3A_133, %dma_start3A_134] : memref<32768x256xf32, #tpu.memory_space<hbm>> -> memref<128x256xf32, #tpu.memory_space<hbm>>
    %dma_start3A_136 = arith.constant 0 : i32
    %dma_start3A_137 = tpu.memref_slice %arg4[%add3A_133, %dma_start3A_136] : memref<32768x256xf32, #tpu.memory_space<hbm>> -> memref<128x256xf32, #tpu.memory_space<hbm>>
    tpu.enqueue_dma source(%arg6 : memref<128x256xf32, #tpu.memory_space<vmem>>) target(%dma_start3A_137 : memref<128x256xf32, #tpu.memory_space<hbm>>) target_semaphore(%arg12 : memref<!tpu.dma_semaphore, #tpu.memory_space<semaphore_mem>>)
    %dma_wait3A_138 = arith.constant 896 : i32
    %dma_wait3A_139 = tpu.memref_slice %arg5[%dma_wait3A_138] : memref<1024xi32, #tpu.memory_space<vmem>> -> memref<128xi32, #tpu.memory_space<vmem>>
    %dma_wait3A_140 = arith.constant 0 : i32
    %dma_wait3A_141 = arith.constant 0 : i32
    %dma_wait3A_142 = tpu.memref_slice %arg2[%dma_wait3A_140, %dma_wait3A_141] : memref<1024x256xf32, #tpu.memory_space<hbm>> -> memref<1024x256xf32, #tpu.memory_space<hbm>>
    tpu.wait_indirect_dma semaphore(%arg10 : memref<!tpu.dma_semaphore, #tpu.memory_space<semaphore_mem>>) src(%dma_wait3A_142 : memref<1024x256xf32, #tpu.memory_space<hbm>>) dst(%arg7 : memref<128x256xf32, #tpu.memory_space<vmem>>)
    %add3A_143 = arith.constant 896 : i32
    %add3A_144 = arith.addi %mul3A_2, %add3A_143 : i32
    %dma_start3A_145 = arith.constant 0 : i32
    %dma_start3A_146 = tpu.memref_slice %arg4[%add3A_144, %dma_start3A_145] : memref<32768x256xf32, #tpu.memory_space<hbm>> -> memref<128x256xf32, #tpu.memory_space<hbm>>
    %dma_start3A_147 = arith.constant 0 : i32
    %dma_start3A_148 = tpu.memref_slice %arg4[%add3A_144, %dma_start3A_147] : memref<32768x256xf32, #tpu.memory_space<hbm>> -> memref<128x256xf32, #tpu.memory_space<hbm>>
    tpu.enqueue_dma source(%arg7 : memref<128x256xf32, #tpu.memory_space<vmem>>) target(%dma_start3A_148 : memref<128x256xf32, #tpu.memory_space<hbm>>) target_semaphore(%arg13 : memref<!tpu.dma_semaphore, #tpu.memory_space<semaphore_mem>>)
    %dma_wait3A_149 = arith.constant 0 : i32
    %dma_wait3A_150 = tpu.memref_slice %arg4[%add3A_133, %dma_wait3A_149] : memref<32768x256xf32, #tpu.memory_space<hbm>> -> memref<128x256xf32, #tpu.memory_space<hbm>>
    %dma_wait3A_151 = arith.constant 0 : i32
    %dma_wait3A_152 = tpu.memref_slice %arg4[%add3A_133, %dma_wait3A_151] : memref<32768x256xf32, #tpu.memory_space<hbm>> -> memref<128x256xf32, #tpu.memory_space<hbm>>
    tpu.wait_dma2 semaphore(%arg12 : memref<!tpu.dma_semaphore, #tpu.memory_space<semaphore_mem>>) src(%arg6 : memref<128x256xf32, #tpu.memory_space<vmem>>) dst(%dma_wait3A_152 : memref<128x256xf32, #tpu.memory_space<hbm>>)
    %dma_wait3A_153 = arith.constant 0 : i32
    %dma_wait3A_154 = tpu.memref_slice %arg4[%add3A_144, %dma_wait3A_153] : memref<32768x256xf32, #tpu.memory_space<hbm>> -> memref<128x256xf32, #tpu.memory_space<hbm>>
    %dma_wait3A_155 = arith.constant 0 : i32
    %dma_wait3A_156 = tpu.memref_slice %arg4[%add3A_144, %dma_wait3A_155] : memref<32768x256xf32, #tpu.memory_space<hbm>> -> memref<128x256xf32, #tpu.memory_space<hbm>>
    tpu.wait_dma2 semaphore(%arg13 : memref<!tpu.dma_semaphore, #tpu.memory_space<semaphore_mem>>) src(%arg7 : memref<128x256xf32, #tpu.memory_space<vmem>>) dst(%dma_wait3A_156 : memref<128x256xf32, #tpu.memory_space<hbm>>)
    %dma_wait3A_157 = arith.constant 0 : i32
    %dma_wait3A_158 = tpu.memref_slice %arg4[%add3A_122, %dma_wait3A_157] : memref<32768x256xf32, #tpu.memory_space<hbm>> -> memref<128x256xf32, #tpu.memory_space<hbm>>
    %dma_wait3A_159 = arith.constant 0 : i32
    %dma_wait3A_160 = tpu.memref_slice %arg4[%add3A_122, %dma_wait3A_159] : memref<32768x256xf32, #tpu.memory_space<hbm>> -> memref<128x256xf32, #tpu.memory_space<hbm>>
    tpu.wait_dma2 semaphore(%arg14 : memref<!tpu.dma_semaphore, #tpu.memory_space<semaphore_mem>>) src(%arg8 : memref<128x256xf32, #tpu.memory_space<vmem>>) dst(%dma_wait3A_160 : memref<128x256xf32, #tpu.memory_space<hbm>>)
    return
  }
}

module attributes {stable_mosaic.version = 14 : i64} {
  func.func @_tc_body(%arg0: i32, %arg1: memref<1024x256xf32, #tpu.memory_space<vmem>>, %arg2: memref<1024x1xf32, #tpu.memory_space<vmem>>, %arg3: memref<1x1x1024xf32, #tpu.memory_space<vmem>>, %arg4: memref<1024x256xf32, #tpu.memory_space<vmem>>, %arg5: memref<1x1x1024xi32, #tpu.memory_space<vmem>>, %arg6: memref<1x1x128xf32, #tpu.memory_space<vmem>>, %arg7: memref<1x1x128xf32, #tpu.memory_space<vmem>>) attributes {dimension_semantics = [#tpu.dimension_semantics<arbitrary>], iteration_bounds = array<i64: 32>, scalar_prefetch = 0 : i64, scratch_operands = 0 : i64, tpu.core_type = #tpu.core_type<tc>, window_params = [{transform_indices = @transform_0, window_bounds = array<i64: 1024, 256>}, {pipeline_mode = #tpu.pipeline_mode<synchronous>, transform_indices = @transform_1, window_bounds = array<i64: 1024, 1>}, {transform_indices = @transform_2, window_bounds = array<i64: 1, 1, 1024>}, {pipeline_mode = #tpu.pipeline_mode<synchronous>, transform_indices = @transform_3, window_bounds = array<i64: 1024, 256>}, {transform_indices = @transform_4, window_bounds = array<i64: 1, 1, 1024>}, {transform_indices = @transform_5, window_bounds = array<i64: 1, 1, 128>}, {transform_indices = @transform_6, window_bounds = array<i64: 1, 1, 128>}]} {
    %get3A = arith.constant 0 : index
    %get3A_0 = arith.constant 0 : index
    %get3A_1 = vector.load %arg1[%get3A, %get3A_0] : memref<1024x256xf32, #tpu.memory_space<vmem>>, vector<1024x256xf32>
    %get3A_2 = arith.constant 0 : index
    %get3A_3 = arith.constant 0 : index
    %get3A_4 = vector.load %arg4[%get3A_2, %get3A_3] : memref<1024x256xf32, #tpu.memory_space<vmem>>, vector<1024x256xf32>
    %dot_general3A = arith.constant dense<0.000000e+00> : vector<1024x1024xf32>
    %dot_general3A_5 = tpu.matmul %get3A_4, %get3A_1, %dot_general3A {dimension_numbers = #tpu.dot_dimension_numbers<[1], [1], [0], [0], [0, 0, 1, 0], [], []>, transpose_lhs_hint = false} : vector<1024x256xf32>, vector<1024x256xf32>, vector<1024x1024xf32> -> vector<1024x1024xf32>
    %get3A_6 = arith.constant 0 : index
    %get3A_7 = arith.constant 0 : index
    %get3A_8 = vector.load %arg2[%get3A_6, %get3A_7] : memref<1024x1xf32, #tpu.memory_space<vmem>>, vector<1024x1xf32>
    %mul3A = arith.mulf %get3A_1, %get3A_1 : vector<1024x256xf32>
    %reduce_sum3A = arith.constant dense<0.000000e+00> : vector<1024xf32>
    %reduce_sum3A_9 = vector.multi_reduction <add>, %mul3A, %reduce_sum3A [1] : vector<1024x256xf32> to vector<1024xf32>
    %broadcast_in_dim3A = vector.shape_cast %reduce_sum3A_9 : vector<1024xf32> to vector<1024x1xf32>
    %transpose3A = tpu.transpose %broadcast_in_dim3A, [1, 0] : vector<1024x1xf32> -> vector<1x1024xf32>
    %add3A = vector.broadcast %transpose3A : vector<1x1024xf32> to vector<1024x1024xf32>
    %add3A_10 = arith.addf %add3A, %dot_general3A_5 : vector<1024x1024xf32>
    %add3A_11 = vector.broadcast %get3A_8 : vector<1024x1xf32> to vector<1024x1024xf32>
    %add3A_12 = arith.addf %add3A_10, %add3A_11 : vector<1024x1024xf32>
    %reduce_min3A = arith.constant dense<0x7F800000> : vector<1024xf32>
    %reduce_min3A_13 = vector.multi_reduction <minimumf>, %add3A_12, %reduce_min3A [0] : vector<1024x1024xf32> to vector<1024xf32>
    %broadcast_in_dim3A_14 = vector.shape_cast %reduce_min3A_13 : vector<1024xf32> to vector<1x1024xf32>
    %iota3A = tpu.iota {dimensions = array<i32: 0>} : vector<1024x1xi32>
    %convert_element_type3A = arith.sitofp %iota3A : vector<1024x1xi32> to vector<1024x1xf32>
    %eq3A = vector.broadcast %broadcast_in_dim3A_14 : vector<1x1024xf32> to vector<1024x1024xf32>
    %eq3A_15 = arith.cmpf oeq, %add3A_12, %eq3A : vector<1024x1024xf32>
    %jit3A = arith.constant 1.024000e+03 : f32
    %broadcast_in_dim3A_16 = vector.shape_cast %convert_element_type3A : vector<1024x1xf32> to vector<1024x1xf32>
    %broadcast_in_dim3A_17 = vector.broadcast %broadcast_in_dim3A_16 : vector<1024x1xf32> to vector<1024x1024xf32>
    %broadcast_in_dim3A_18 = vector.broadcast %jit3A : f32 to vector<1024x1024xf32>
    %select_n3A = arith.select %eq3A_15, %broadcast_in_dim3A_17, %broadcast_in_dim3A_18 : vector<1024x1024xi1>, vector<1024x1024xf32>
    %reduce_min3A_19 = arith.constant dense<0x7F800000> : vector<1024xf32>
    %reduce_min3A_20 = vector.multi_reduction <minimumf>, %select_n3A, %reduce_min3A_19 [0] : vector<1024x1024xf32> to vector<1024xf32>
    %convert_element_type3A_21 = arith.fptosi %reduce_min3A_20 : vector<1024xf32> to vector<1024xi32>
    %get3A_22 = arith.constant 0 : index
    %get3A_23 = arith.constant 0 : index
    %get3A_24 = arith.constant 0 : index
    %get3A_25 = vector.load %arg3[%get3A_22, %get3A_23, %get3A_24] : memref<1x1x1024xf32, #tpu.memory_space<vmem>>, vector<1x1x1024xf32>
    %get3A_26 = vector.shape_cast %get3A_25 : vector<1x1x1024xf32> to vector<1024xf32>
    %squeeze3A = vector.shape_cast %broadcast_in_dim3A_14 : vector<1x1024xf32> to vector<1024xf32>
    %mul3A_27 = arith.mulf %squeeze3A, %get3A_26 : vector<1024xf32>
    %reduce_sum3A_28 = vector.shape_cast %mul3A_27 : vector<1024xf32> to vector<1x1024xf32>
    %reduce_sum3A_29 = arith.constant dense<0.000000e+00> : vector<1xf32>
    %reduce_sum3A_30 = vector.multi_reduction <add>, %reduce_sum3A_28, %reduce_sum3A_29 [1] : vector<1x1024xf32> to vector<1xf32>
    %reduce_sum3A_31 = vector.shape_cast %reduce_sum3A_30 : vector<1xf32> to vector<1x1xf32>
    %reduce_sum3A_32 = vector.extract %reduce_sum3A_31[0, 0] : f32 from vector<1x1xf32>
    %reduce_sum3A_33 = vector.shape_cast %get3A_26 : vector<1024xf32> to vector<1x1024xf32>
    %reduce_sum3A_34 = arith.constant dense<0.000000e+00> : vector<1xf32>
    %reduce_sum3A_35 = vector.multi_reduction <add>, %reduce_sum3A_33, %reduce_sum3A_34 [1] : vector<1x1024xf32> to vector<1xf32>
    %reduce_sum3A_36 = vector.shape_cast %reduce_sum3A_35 : vector<1xf32> to vector<1x1xf32>
    %reduce_sum3A_37 = vector.extract %reduce_sum3A_36[0, 0] : f32 from vector<1x1xf32>
    %swap3A = arith.constant 0 : index
    %swap3A_38 = arith.constant 0 : index
    %swap3A_39 = arith.constant 0 : index
    %swap3A_40 = vector.load %arg5[%swap3A, %swap3A_38, %swap3A_39] : memref<1x1x1024xi32, #tpu.memory_space<vmem>>, vector<1x1x1024xi32>
    %swap3A_41 = vector.shape_cast %swap3A_40 : vector<1x1x1024xi32> to vector<1024xi32>
    %swap3A_42 = vector.shape_cast %convert_element_type3A_21 : vector<1024xi32> to vector<1x1x1024xi32>
    tpu.vector_store %arg5[%swap3A, %swap3A_38, %swap3A_39], %swap3A_42 {strides = array<i32>} : memref<1x1x1024xi32, #tpu.memory_space<vmem>>, vector<1x1x1024xi32>,
    %broadcast_in_dim3A_43 = vector.broadcast %reduce_sum3A_32 : f32 to vector<128xf32>
    %swap3A_44 = arith.constant 0 : index
    %swap3A_45 = arith.constant 0 : index
    %swap3A_46 = arith.constant 0 : index
    %swap3A_47 = vector.load %arg6[%swap3A_44, %swap3A_45, %swap3A_46] : memref<1x1x128xf32, #tpu.memory_space<vmem>>, vector<1x1x128xf32>
    %swap3A_48 = vector.shape_cast %swap3A_47 : vector<1x1x128xf32> to vector<128xf32>
    %swap3A_49 = vector.shape_cast %broadcast_in_dim3A_43 : vector<128xf32> to vector<1x1x128xf32>
    tpu.vector_store %arg6[%swap3A_44, %swap3A_45, %swap3A_46], %swap3A_49 {strides = array<i32>} : memref<1x1x128xf32, #tpu.memory_space<vmem>>, vector<1x1x128xf32>,
    %broadcast_in_dim3A_50 = vector.broadcast %reduce_sum3A_37 : f32 to vector<128xf32>
    %swap3A_51 = arith.constant 0 : index
    %swap3A_52 = arith.constant 0 : index
    %swap3A_53 = arith.constant 0 : index
    %swap3A_54 = vector.load %arg7[%swap3A_51, %swap3A_52, %swap3A_53] : memref<1x1x128xf32, #tpu.memory_space<vmem>>, vector<1x1x128xf32>
    %swap3A_55 = vector.shape_cast %swap3A_54 : vector<1x1x128xf32> to vector<128xf32>
    %swap3A_56 = vector.shape_cast %broadcast_in_dim3A_50 : vector<128xf32> to vector<1x1x128xf32>
    tpu.vector_store %arg7[%swap3A_51, %swap3A_52, %swap3A_53], %swap3A_56 {strides = array<i32>} : memref<1x1x128xf32, #tpu.memory_space<vmem>>, vector<1x1x128xf32>,
    return
  }
  func.func @transform_0(%arg0: i32) -> (i32, i32) {
    %c0_i32 = arith.constant 0 : i32
    %c0_i32_0 = arith.constant 0 : i32
    return %arg0, %c0_i32 : i32, i32
  }
  func.func @transform_1(%arg0: i32) -> (i32, i32) {
    %c0_i32 = arith.constant 0 : i32
    %c0_i32_0 = arith.constant 0 : i32
    %c0_i32_1 = arith.constant 0 : i32
    return %c0_i32, %c0_i32_0 : i32, i32
  }
  func.func @transform_2(%arg0: i32) -> (i32, i32, i32) {
    %c0_i32 = arith.constant 0 : i32
    %c0_i32_0 = arith.constant 0 : i32
    %c0_i32_1 = arith.constant 0 : i32
    return %arg0, %c0_i32, %c0_i32_0 : i32, i32, i32
  }
  func.func @transform_3(%arg0: i32) -> (i32, i32) {
    %c0_i32 = arith.constant 0 : i32
    %c0_i32_0 = arith.constant 0 : i32
    %c0_i32_1 = arith.constant 0 : i32
    return %c0_i32, %c0_i32_0 : i32, i32
  }
  func.func @transform_4(%arg0: i32) -> (i32, i32, i32) {
    %c0_i32 = arith.constant 0 : i32
    %c0_i32_0 = arith.constant 0 : i32
    %c0_i32_1 = arith.constant 0 : i32
    return %arg0, %c0_i32, %c0_i32_0 : i32, i32, i32
  }
  func.func @transform_5(%arg0: i32) -> (i32, i32, i32) {
    %c0_i32 = arith.constant 0 : i32
    %c0_i32_0 = arith.constant 0 : i32
    %c0_i32_1 = arith.constant 0 : i32
    return %arg0, %c0_i32, %c0_i32_0 : i32, i32, i32
  }
  func.func @transform_6(%arg0: i32) -> (i32, i32, i32) {
    %c0_i32 = arith.constant 0 : i32
    %c0_i32_0 = arith.constant 0 : i32
    %c0_i32_1 = arith.constant 0 : i32
    return %arg0, %c0_i32, %c0_i32_0 : i32, i32, i32
  }
}

</mosaic_0001>

<sc_bundles>
// kernel: kernel.4.cloned.1.call-start
scs
__scs_entry_jumppad:
0x0: {  	(pc) =	sbr.rel $0x88, $3  }
0x1: {  	(tag) =	ssettag $0x0;
	lr =	simm.s32 $0x1  }
0x2: {  	[smem:$0x3F9E] =	sst lr;
	_ =	strace $0xD0000000  }
0x3: {  	_ = 	snop  }
0x4: {  	_ = 	snop  }
0x5: {  	_ = 	snop  }
0x6: {  	_ = 	snop  }
0x7: {  	_ = 	snop  }
__scs_overlays_trampoline_lowered:
0x8: {  	[smem:$0x3FAD] =	sst s0  }
0x9: {  	[smem:$0x3FAE] =	sst s1  }
0xa: {  	[smem:$0x3FAF] =	sst s2  }
0xb: {  	[smem:$0x3FB0] =	sst s3  }
0xc: {  	[smem:$0x3FB1] =	sst s4  }
0xd: {  	[smem:$0x3FB2] =	sst s5  }
0xe: {  	[smem:$0x3FB3] =	sst s6  }
0xf: {  	[smem:$0x3FB4] =	sst s7  }
0x10: {  	[smem:$0x3FB5] =	sst s8  }
0x11: {  	[smem:$0x3FB6] =	sst s9;
	s0 =	simm.s32 @!p0 $0x0  }
0x12: {  	s1 =	sld [smem:$0x3F9C];
	s0 =	simm.s32 @p0 $0x1  }
0x13: {  	[smem:$0x3FB7] =	sst s0;
	s0 =	simm.s32 @!p1 $0x0  }
0x14: {  	s2 =	sld [smem:$0x3F9B];
	s0 =	simm.s32 @p1 $0x1  }
0x15: {  	[smem:$0x3FB8] =	sst s0;
	s0 =	simm.s32 @!p2 $0x0  }
0x16: {  	s3 =	sld [smem:$0x3FDB];
	s0 =	simm.s32 @p2 $0x1  }
0x17: {  	s4 =	simm.s32 $0x1BF5;
	[smem:$0x3FBA] =	sst s0  }
0x18: {  	s0 =	sld [smem:$0x3F9D];
	_ =	swait.ge [sflag:s4], $0x0  }
0x19: {  	s7 =	sld [smem:$0x3F9E]  }
0x1a: {  	s8 =	sadd.s32 $0xFFFFE003, lr  }
0x1b: {  	s9 =	sadd.s32 $0xFFFFFEF7, lr;
	s5 =	simm.s32 $0xFFFFFFFF;
	p2 =	slt.u32 s8, $0xFFFFF086  }
0x1c: {  	p1 =	slt.u32 s9, $0xF7A;
	s5 =	simm.s32 @!p2 $0x0  }
0x1d: {  	s5 =	simm.s32 @p1 $0x1;
	p0 =	seq.s32 s7, s2  }
0x1e: {  	s7 =	smul.u32 @!p0 $0xF7A, s2;
	p2 =	seq.s32 @!p0 s5, $0x0  }
0x1f: {  	s9 =	smul.u32 $0xF7A, s1;
	s8 =	simm.s32 @!p0 $0x1BF5;
	p2 =	por !p2, p0  }
0x20: {  	[sflag:s8] =	ssyncset.s32 @!p0 $0xFFFFF086;
	s6 =	sadd.s32 @!p0 s3, s7;
	s7 =	simm.s32 @!p0 $0x108  }
0x21: {  	s3 =	sadd.s32 s3, s9;
	s6 =	sadd.s32 @!p0 $0x88, s6;
	s7 =	simm.s32 @p2 $0x1082  }
0x22: {  	[simem:s7], [sflag:s8] =	dma.local @!p0 [hbm:s6], $0xF7A  }
0x23: {  	s9 =	sor.u32 $0xD0000000, s2;
	s6 =	simm.s32 $0x108;
	_ =	swait.ge @!p0 [sflag:s8], $0x0  }
0x24: {  	s3 =	sadd.s32 $0x88, s3;
	s6 =	simm.s32 @!p1 $0x1082;
	[sflag:s4] =	ssyncset.s32 $0xFFFFF086  }
0x25: {  	[simem:s6], [sflag:s4] =	dma.local [hbm:s3], $0xF7A  }
0x26: {  	[smem:$0x3F9E] =	sst s1;
	(tag) =	ssettag s2;
	_ =	strace s9  }
0x27: {  	s1 =	sld [smem:$0x3FAE]  }
0x28: {  	s2 =	sld [smem:$0x3FAF]  }
0x29: {  	s4 =	sld [smem:$0x3FB1]  }
0x2a: {  	p0 =	seq.s32 s5, $0x0;
	s5 =	sld [smem:$0x3FB2]  }
0x2b: {  	s6 =	sld [smem:$0x3FB3]  }
0x2c: {  	s7 =	sld [smem:$0x3FB4]  }
0x2d: {  	s3 =	simm.s32 $0x108;
	s8 =	sld [smem:$0x3FB5]  }
0x2e: {  	s3 =	simm.s32 @!p0 $0x1082;
	s9 =	sld [smem:$0x3FB6]  }
0x2f: {  	lr =	sadd.s32 s0, s3;
	s0 =	sld [smem:$0x3FAD]  }
0x30: {  	s3 =	sld [smem:$0x3FB0]  }
0x31: {  	[smem:$0x3FB9] =	sst s10  }
0x32: {  	s10 =	sld [smem:$0x3FB7];
	_ =	sdelay $0x3  }
0x33: {  	p0 =	seq.s32 s10, $0x1;
	s10 =	sld [smem:$0x3FB9];
	_ =	sdelay $0x3  }
0x34: {  	[smem:$0x3FB9] =	sst s10  }
0x35: {  	s10 =	sld [smem:$0x3FB8];
	_ =	sdelay $0x3  }
0x36: {  	p1 =	seq.s32 s10, $0x1;
	s10 =	sld [smem:$0x3FB9];
	_ =	sdelay $0x3  }
0x37: {  	[smem:$0x3FB9] =	sst s10  }
0x38: {  	s10 =	sld [smem:$0x3FBA]  }
0x39: {  	_ = 	snop;
	(pc) =	sbr.ind lr, $3  }
0x3a: {  	_ = 	snop  }
0x3b: {  	_ = 	snop  }
0x3c: {  	p2 =	seq.s32 s10, $0x1;
	s10 =	sld [smem:$0x3FB9]  }
0x3d: {  	_ =	shalt  }
0x3e: {  	_ =	shalt  }
0x3f: {  	_ =	shalt  }
0x40: {  	_ =	shalt  }
0x41: {  	_ =	shalt  }
0x42: {  	_ =	shalt  }
0x43: {  	_ =	shalt  }
0x44: {  	_ =	shalt  }
0x45: {  	_ =	shalt  }
0x46: {  	_ =	shalt  }
0x47: {  	_ =	shalt  }
0x48: {  	_ =	shalt  }
0x49: {  	_ =	shalt  }
0x4a: {  	_ =	shalt  }
0x4b: {  	_ =	shalt  }
0x4c: {  	_ =	shalt  }
0x4d: {  	_ =	shalt  }
0x4e: {  	_ =	shalt  }
0x4f: {  	_ =	shalt  }
0x50: {  	_ =	shalt  }
0x51: {  	_ =	shalt  }
0x52: {  	_ =	shalt  }
0x53: {  	_ =	shalt  }
0x54: {  	_ =	shalt  }
0x55: {  	_ =	shalt  }
0x56: {  	_ =	shalt  }
0x57: {  	_ =	shalt  }
0x58: {  	_ =	shalt  }
0x59: {  	_ =	shalt  }
0x5a: {  	_ =	shalt  }
0x5b: {  	_ =	shalt  }
0x5c: {  	_ =	shalt  }
0x5d: {  	_ =	shalt  }
0x5e: {  	_ =	shalt  }
0x5f: {  	_ =	shalt  }
0x60: {  	_ =	shalt  }
0x61: {  	_ =	shalt  }
0x62: {  	_ =	shalt  }
0x63: {  	_ =	shalt  }
0x64: {  	_ =	shalt  }
0x65: {  	_ =	shalt  }
0x66: {  	_ =	shalt  }
0x67: {  	_ =	shalt  }
0x68: {  	_ =	shalt  }
0x69: {  	_ =	shalt  }
0x6a: {  	_ =	shalt  }
0x6b: {  	_ =	shalt  }
0x6c: {  	_ =	shalt  }
0x6d: {  	_ =	shalt  }
0x6e: {  	_ =	shalt  }
0x6f: {  	_ =	shalt  }
0x70: {  	_ =	shalt  }
0x71: {  	_ =	shalt  }
0x72: {  	_ =	shalt  }
0x73: {  	_ =	shalt  }
0x74: {  	_ =	shalt  }
0x75: {  	_ =	shalt  }
0x76: {  	_ =	shalt  }
0x77: {  	_ =	shalt  }
0x78: {  	_ =	shalt  }
0x79: {  	_ =	shalt  }
0x7a: {  	_ =	shalt  }
0x7b: {  	_ =	shalt  }
0x7c: {  	_ =	shalt  }
0x7d: {  	_ =	shalt  }
0x7e: {  	_ =	shalt  }
0x7f: {  	_ =	shalt  }
0x80: {  	_ =	shalt  }
0x81: {  	_ =	shalt  }
0x82: {  	_ =	shalt  }
0x83: {  	_ =	shalt  }
0x84: {  	_ =	shalt  }
0x85: {  	_ =	shalt  }
0x86: {  	_ =	shalt  }
0x87: {  	_ =	shalt  }
.Lfunc_end0:
.L_simem_size_0:
called_computation_lowered:
.L_overlay_start_0:
0x88: {  	s2 =	sld [smem:$0x3FD9]  }
0x89: {  	s3 =	sld [smem:$0x3FFE];
	_ =	sdelay $0x1  }
0x8a: {  	s1 =	srdreg.scid  }
0x8b: {  	s0 =	sand.u32 $0x1, s1  }
0x8c: {  	s14 =	sshll.u32 s0, $0xA;
	s2 =	sadd.s32 s3, s2  }
0x8d: {  	s2 =	sadd.s32 s2, s14  }
0x8e: {  	[smem:$0x3FC5] =	sst s2  }
0x8f: {  	_ = 	snop  }
0x90: {  	s2 =	sld [smem:$0x3FD0];
	_ =	sdelay $0x2  }
0x91: {  	s4 =	simm.s32 $0xA;
	s5 =	simm.s32 $0x10;
	s15 =	sld [smem:$0x3FC7]  }
0x92: {  	[smem:s5], [sflag:s4] =	dma.local [hbm:s2], $0x1  }
0x93: {  	_ =	swait.eq [sflag:s4], $0x1  }
0x94: {  	[sflag:s4] =	ssyncset.done $0x0  }
0x95: {  	[sflag:s4] =	ssyncadd.s32 $0xFFFFFFFF  }
0x96: {  	s16 =	sld [smem:$0x10];
	(tm) =	ssettm $0x1  }
0x97: {  	s17 =	sld [smem:$0x3FFB];
	_ =	sdelay $0x3  }
0x98: {  	_ =	strace s17  }
0x99: {  	s4 =	sld [smem:$0x3FFC];
	_ =	sdelay $0x3  }
0x9a: {  	_ =	strace s4  }
0x9b: {  	s4 =	sld [smem:$0x3FFD];
	_ =	sdelay $0x3  }
0x9c: {  	_ =	strace s4  }
0x9d: {  	_ =	strace $0x8FFFFFFF  }
0x9e: {  	s18 =	sld [smem:$0x3FDB];
	_ =	sdelay $0x1  }
0x9f: {  	s19 =	simm.s32 $_scs_section_size  }
0xa0: {  	s6 =	simm.s32 $_size__tile_overlayer_lowered;
	s7 =	simm.s32 $_tile_overlayer_lowered  }
0xa1: {  	s22 =	simm.s32 $0x1BFF;
	s21 =	sshll.u32 s7, $0x1;
	s4 =	sadd.s32 s19, s18  }
0xa2: {  	s8 =	simm.s32 $0x0;
	s20 =	sshll.u32 s6, $0x1;
	s6 =	sadd.s32 s21, s4  }
0xa3: {  	[timem:s8], [sflag:s22] =	dma.local [hbm:s6], s20  }
0xa4: {  	_ =	swait.ge [sflag:s22], s20  }
0xa5: {  	s5 =	ssub.s32 $0x0, s20;
	[sflag:s22] =	ssyncset.done $0x0  }
0xa6: {  	[sflag:s22] =	ssyncadd.s32 s5;
	_ =	sdelay $0x1  }
0xa7: {  	s23 =	simm.s32 $0x1B8B  }
0xa8: {  	_ =	swait.ge [sflag:s23], $0x1  }
0xa9: {  	[sflag:s23] =	ssyncset.done $0x0  }
0xaa: {  	s25 =	simm.s32 $0x1B8E;
	s24 =	sld [smem:$0x3FFE];
	[sflag:s23] =	ssyncadd.s32 $0xFFFFFFFF  }
0xab: {  	s26 =	simm.s32 $execute0_lowered;
	[smem:$0x3FD2] =	sst s25  }
0xac: {  	s6 =	sshll.u32 s26, $0x1;
	_ =	strace $0x80000046;
	[dreg:$0x1] =	wrdreg $0xFFFFFFFF  }
0xad: {  	s28 =	simm.s32 $_size_execute0_lowered;
	s4 =	sadd.s32 s4, s6;
	[dreg:$0x0] =	wrdreg $0x0  }
0xae: {  	s6 =	sshll.u32 s28, $0x1;
	[dreg:$0x2] =	wrdreg s4  }
0xaf: {  	[dreg:$0x3] =	wrdreg s6  }
0xb0: {  	[dreg:$0x4] =	wrdreg $0xC0  }
0xb1: {  	_ =	task [dreg:s8], $0x5FFFF  }
0xb2: {  	[dreg:$0x1] =	wrdreg $0xFFFFFFFF  }
0xb3: {  	[dreg:$0x0] =	wrdreg $0x60  }
0xb4: {  	[dreg:$0x2] =	wrdreg s15  }
0xb5: {  	[dreg:$0x3] =	wrdreg s24  }
0xb6: {  	[dreg:$0x4] =	wrdreg s16  }
0xb7: {  	[dreg:$0x5] =	wrdreg $0x9  }
0xb8: {  	_ =	task.clear_ibuf [dreg:s8], $0x6FFFF;
	_ =	strace $0x90000046  }
0xb9: {  	s29 =	simm.s32 $0x9;
	_ =	strace $0x80000048  }
0xba: {  	_ =	swait.ge [sflag:s29], $0x1  }
0xbb: {  	[sflag:s29] =	ssyncadd.s32 $0xFFFFFFFF  }
0xbc: {  	_ =	strace $0x90000048  }
0xbd: {  	_ =	sfence  }
0xbe: {  	s30 =	sld [smem:$0x0];
	_ =	sdelay $0x2  }
0xbf: {  	s31 =	sshll.u32 s1, $0xD;
	s1 =	sshrl.u32 s1, $0x2  }
0xc0: {  	s3 =	sand.u32 $0x4000, s31;
	s1 =	sadd.s32 s1, s30  }
0xc1: {  	s0 =	sor.u32 s3, s0;
	s1 =	sshll.u32 s1, $0x11  }
0xc2: {  	s0 =	sor.u32 s1, s0  }
0xc3: {  	s0 =	sadd.s32 $0x8F2B, s0  }
0xc4: {  	[sflag:s0] =	ssyncadd.remote.s32 $0x1  }
0xc5: {  	_ =	sfence.sel $0xFFFF  }
0xc6: {  	[dreg:$0x0] =	wrdreg $0xFFFFFFFF;
	(pc) =	sbr.abs _section_cstart, $3  }
0xc7: {  	[dreg:$0x1] =	wrdreg $0xFFFFFFFF  }
0xc8: {  	_ =	task.clear_ibuf [dreg:s8], $0x2FFFF;
	_ =	strace $0x9FFFFFFF  }
0xc9: {  	(tm) =	ssettm $0x7FFFFFFF  }
tec
execute0_lowered:
.L_overlay_start_1:
0x0: {  	(tag) =	ssettag $0x1  }
0x1: {  	s1 =	rddreg [dreg:$0x0];
	s0 =	srdreg.scid  }
0x2: {  	s2 =	rddreg [dreg:$0x1];
	s3 =	stileid.u32  }
0x3: {  	s4 =	rddreg [dreg:$0x2];
	s28 =	simm.s32 $0x400;
	s13 =	simm.s32 $0x1  }
0x4: {  	s14 =	simm.s32 $0x4;
	s15 =	simm.s32 $0x2;
	s16 =	simm.s32 $0x5  }
0x5: {  	s17 =	simm.s32 $0x3;
	s18 =	simm.s32 $0x6;
	s29 =	simm.s32 $0x4400  }
0x6: {  	s30 =	simm.s32 $0x4C00;
	s31 =	simm.s32 $0x5400;
	s0 =	sand.u32 $0x1, s0  }
0x7: {  	s7 =	simm.s32 $0x10C00;
	s5 =	sshll.u32 s3, $0xB;
	s6 =	sshll.u32 s0, $0xA  }
0x8: {  	s10 =	simm.s32 $0x11400;
	s11 =	simm.s32 $0x11C00;
	s5 =	sor.u32 s6, s5  }
0x9: {  	s12 =	simm.s32 $0x12400;
	s3 =	simm.s32 $0x0;
	s6 =	sshrl.u32 s5, $0x3  }
0xa: {  	[smem:$0x7FF] =	sst s3;
	s5 =	sshll.u32 s5, $0x5;
	s2 =	sadd.s32 s2, s6  }
0xb: {  	_ =	strace $0x80000047;
	s5 =	sadd.s32 s4, s5;
	[dreg:$0x4] =	wrdreg s2  }
0xc: {  	s8 =	simm.s32 $0x14400;
	s19 =	sadd.s32 $0x1000, s5;
	[dreg:$0xc] =	wrdreg s5  }
0xd: {  	s9 =	simm.s32 $0x14C00;
	s20 =	sadd.s32 $0x2000, s5;
	[dreg:$0x5] =	wrdreg s19  }
0xe: {  	s0 =	ssub.s32 $0x2, s0;
	s21 =	sadd.s32 $0x3000, s5;
	[dreg:$0x6] =	wrdreg s20  }
0xf: {  	s24 =	sshrl.u32 s0, $0x1;
	s22 =	sadd.s32 $0x4000, s5;
	[dreg:$0x7] =	wrdreg s21  }
0x10: {  	s0 =	ssub.s32 s0, s24;
	s23 =	sadd.s32 $0x5000, s5;
	[dreg:$0x8] =	wrdreg s22  }
0x11: {  	s24 =	simm.s32 $0x16C00;
	s25 =	sadd.s32 $0x6000, s5;
	[dreg:$0x9] =	wrdreg s23  }
0x12: {  	s4 =	simm.s32 $0x13400;
	s26 =	sadd.s32 $0x7000, s5;
	[dreg:$0xa] =	wrdreg s25  }
0x13: {  	v2 =	vlaneseq.u32;
	s6 =	simm.s32 $0x13C00;
	s5 =	smax.u32 s0, $0x1;
	[dreg:$0xb] =	wrdreg s26  }
0x14: {  	vm0 =	vmmov $0xffff;
	v1 =	vshrl.u32 v2, $0x3;
	s23 =	simm.s32 $0x8400;
	s20 =	simm.s32 $0x15400;
	s21 =	simm.s32 $0x15C00  }
0x15: {  	v0 =	vand.u32 $0x7, v2;
	v2 =	vor.u32 $0x8, v2;
	v1 =	vmul.u32 $0x8, v1;
	s22 =	simm.s32 $0x16400;
	s25 =	simm.s32 $0x17400;
	s26 =	simm.s32 $0x17C00  }
.LBB2_1:
0x16: {  	s19 =	rddreg [dreg:$0x4];
	s0 =	simm.s32 $0x7  }
0x17: {  	[tilespmem:s3], [sflag:$0x7] =	stream.linear.gather [hbm4b:s19+s3], $0x400, $0x38;
	[tilespmem:$0x18400] =	vst v63  }
0x18: {  	_ =	swait.ge [sflag:s0], $0x400  }
0x19: {  	[sflag:s0] =	ssyncset.done $0x0  }
0x1a: {  	[sflag:s0] =	ssyncadd.s32 $0xFFFFFC00  }
0x1b: {  	v3 =	vld [tilespmem:$0x0];
	_ =	sdelay $0x4  }
0x1c: {  	v4 =	vshll.u32 v3, $0x1  }
0x1d: {  	v3 =	vand.u32 $0x7, v3;
	v4 =	vand.u32 $0xFFFFFFF0, v4  }
0x1e: {  	v3 =	vor.u32 v3, v4  }
0x1f: {  	v4 =	vperm.xlane v3, v0;
	_ =	sdelay $0x1  }
0x20: {  	v3 =	vperm.xlane v3, v2;
	v4 =	vadd.s32 v1, v4;
	_ =	sdelay $0x1  }
0x21: {  	v3 =	vadd.s32 v1, v3;
	_ =	sdelay $0x2  }
0x22: {  	[tilespmem:s28], [sflag:$0x1] =	stream.indirect_vreg.gather [hbm4b:s1+s3], $0x80, v4, vm0, $0xb8;
	[tilespmem:$0x18400] =	vst v63  }
0x23: {  	s0 =	simm.s32 $0xC00  }
0x24: {  	[tilespmem:s0], [sflag:$0x1] =	stream.indirect_vreg.gather [hbm4b:s1+s3], $0x80, v3, vm0, $0xb8;
	[tilespmem:$0x18400] =	vst v63  }
0x25: {  	v3 =	vld [tilespmem:$0x10];
	_ =	sdelay $0x4  }
0x26: {  	v57 =	vshll.u32 v3, $0x1  }
0x27: {  	v3 =	vand.u32 $0x7, v3;
	v4 =	vand.u32 $0xFFFFFFF0, v57  }
0x28: {  	v3 =	vor.u32 v3, v4  }
0x29: {  	v4 =	vperm.xlane v3, v0;
	_ =	sdelay $0x1  }
0x2a: {  	v3 =	vperm.xlane v3, v2;
	v4 =	vadd.s32 v1, v4;
	_ =	sdelay $0x1  }
0x2b: {  	v3 =	vadd.s32 v1, v3;
	_ =	sdelay $0x1  }
0x2c: {  	s2 =	simm.s32 $0x1400  }
0x2d: {  	[tilespmem:s2], [sflag:$0x1] =	stream.indirect_vreg.gather [hbm4b:s1+s3], $0x80, v4, vm0, $0xb8;
	[tilespmem:$0x18400] =	vst v63  }
0x2e: {  	s19 =	simm.s32 $0x1C00  }
0x2f: {  	[tilespmem:s19], [sflag:$0x1] =	stream.indirect_vreg.gather [hbm4b:s1+s3], $0x80, v3, vm0, $0xb8;
	[tilespmem:$0x18400] =	vst v63  }
0x30: {  	v3 =	vld [tilespmem:$0x20];
	_ =	sdelay $0x4  }
0x31: {  	v58 =	vshll.u32 v3, $0x1  }
0x32: {  	v3 =	vand.u32 $0x7, v3;
	v4 =	vand.u32 $0xFFFFFFF0, v58  }
0x33: {  	v3 =	vor.u32 v3, v4  }
0x34: {  	v4 =	vperm.xlane v3, v0;
	_ =	sdelay $0x1  }
0x35: {  	v3 =	vperm.xlane v3, v2;
	v4 =	vadd.s32 v1, v4;
	_ =	sdelay $0x1  }
0x36: {  	v3 =	vadd.s32 v1, v3;
	_ =	sdelay $0x1  }
0x37: {  	s2 =	simm.s32 $0x2400  }
0x38: {  	[tilespmem:s2], [sflag:$0x1] =	stream.indirect_vreg.gather [hbm4b:s1+s3], $0x80, v4, vm0, $0xb8;
	[tilespmem:$0x18400] =	vst v63  }
0x39: {  	s19 =	simm.s32 $0x2C00  }
0x3a: {  	[tilespmem:s19], [sflag:$0x1] =	stream.indirect_vreg.gather [hbm4b:s1+s3], $0x80, v3, vm0, $0xb8;
	[tilespmem:$0x18400] =	vst v63  }
0x3b: {  	v3 =	vld [tilespmem:$0x30];
	_ =	sdelay $0x4  }
0x3c: {  	v59 =	vshll.u32 v3, $0x1  }
0x3d: {  	v3 =	vand.u32 $0x7, v3;
	v4 =	vand.u32 $0xFFFFFFF0, v59  }
0x3e: {  	v3 =	vor.u32 v3, v4  }
0x3f: {  	v4 =	vperm.xlane v3, v0;
	_ =	sdelay $0x1  }
0x40: {  	v3 =	vperm.xlane v3, v2;
	v4 =	vadd.s32 v1, v4;
	_ =	sdelay $0x1  }
0x41: {  	v3 =	vadd.s32 v1, v3;
	_ =	sdelay $0x1  }
0x42: {  	s2 =	simm.s32 $0x3400  }
0x43: {  	[tilespmem:s2], [sflag:$0x1] =	stream.indirect_vreg.gather [hbm4b:s1+s3], $0x80, v4, vm0, $0xb8;
	[tilespmem:$0x18400] =	vst v63  }
0x44: {  	s19 =	simm.s32 $0x3C00  }
0x45: {  	[tilespmem:s19], [sflag:$0x1] =	stream.indirect_vreg.gather [hbm4b:s1+s3], $0x80, v3, vm0, $0xb8;
	[tilespmem:$0x18400] =	vst v63  }
0x46: {  	v3 =	vld [tilespmem:$0x40];
	_ =	sdelay $0x4  }
0x47: {  	v60 =	vshll.u32 v3, $0x1  }
0x48: {  	v3 =	vand.u32 $0x7, v3;
	v4 =	vand.u32 $0xFFFFFFF0, v60  }
0x49: {  	v3 =	vor.u32 v3, v4  }
0x4a: {  	v4 =	vperm.xlane v3, v0;
	_ =	sdelay $0x1  }
0x4b: {  	v3 =	vperm.xlane v3, v2;
	v4 =	vadd.s32 v1, v4;
	_ =	sdelay $0x1  }
0x4c: {  	v3 =	vadd.s32 v1, v3;
	_ =	sdelay $0x2  }
0x4d: {  	[tilespmem:s29], [sflag:$0x1] =	stream.indirect_vreg.gather [hbm4b:s1+s3], $0x80, v4, vm0, $0xb8;
	[tilespmem:$0x18400] =	vst v63  }
0x4e: {  	_ = 	snop  }
0x4f: {  	[tilespmem:s30], [sflag:$0x1] =	stream.indirect_vreg.gather [hbm4b:s1+s3], $0x80, v3, vm0, $0xb8;
	[tilespmem:$0x18400] =	vst v63  }
0x50: {  	v3 =	vld [tilespmem:$0x50];
	_ =	sdelay $0x4  }
0x51: {  	v61 =	vshll.u32 v3, $0x1  }
0x52: {  	v3 =	vand.u32 $0x7, v3;
	v4 =	vand.u32 $0xFFFFFFF0, v61  }
0x53: {  	v3 =	vor.u32 v3, v4  }
0x54: {  	v4 =	vperm.xlane v3, v0;
	_ =	sdelay $0x1  }
0x55: {  	v3 =	vperm.xlane v3, v2;
	v4 =	vadd.s32 v1, v4;
	_ =	sdelay $0x1  }
0x56: {  	v3 =	vadd.s32 v1, v3;
	_ =	sdelay $0x2  }
0x57: {  	[tilespmem:s31], [sflag:$0x1] =	stream.indirect_vreg.gather [hbm4b:s1+s3], $0x80, v4, vm0, $0xb8;
	[tilespmem:$0x18400] =	vst v63  }
0x58: {  	s2 =	simm.s32 $0x5C00  }
0x59: {  	[tilespmem:s2], [sflag:$0x1] =	stream.indirect_vreg.gather [hbm4b:s1+s3], $0x80, v3, vm0, $0xb8;
	[tilespmem:$0x18400] =	vst v63  }
0x5a: {  	v3 =	vld [tilespmem:$0x60];
	_ =	sdelay $0x4  }
0x5b: {  	v62 =	vshll.u32 v3, $0x1  }
0x5c: {  	v3 =	vand.u32 $0x7, v3;
	v4 =	vand.u32 $0xFFFFFFF0, v62  }
0x5d: {  	v3 =	vor.u32 v3, v4  }
0x5e: {  	v4 =	vperm.xlane v3, v0;
	_ =	sdelay $0x1  }
0x5f: {  	v3 =	vperm.xlane v3, v2;
	v4 =	vadd.s32 v1, v4;
	_ =	sdelay $0x1  }
0x60: {  	v3 =	vadd.s32 v1, v3;
	_ =	sdelay $0x1  }
0x61: {  	s19 =	simm.s32 $0x6400  }
0x62: {  	[tilespmem:s19], [sflag:$0x1] =	stream.indirect_vreg.gather [hbm4b:s1+s3], $0x80, v4, vm0, $0xb8;
	[tilespmem:$0x18400] =	vst v63  }
0x63: {  	s2 =	simm.s32 $0x6C00  }
0x64: {  	[tilespmem:s2], [sflag:$0x1] =	stream.indirect_vreg.gather [hbm4b:s1+s3], $0x80, v3, vm0, $0xb8;
	[tilespmem:$0x18400] =	vst v63  }
0x65: {  	v3 =	vld [tilespmem:$0x70];
	_ =	sdelay $0x4  }
0x66: {  	v63 =	vshll.u32 v3, $0x1  }
0x67: {  	v3 =	vand.u32 $0x7, v3;
	v4 =	vand.u32 $0xFFFFFFF0, v63  }
0x68: {  	v3 =	vor.u32 v3, v4  }
0x69: {  	v4 =	vperm.xlane v3, v0;
	_ =	sdelay $0x1  }
0x6a: {  	v3 =	vperm.xlane v3, v2;
	v4 =	vadd.s32 v1, v4;
	_ =	sdelay $0x1  }
0x6b: {  	v3 =	vadd.s32 v1, v3;
	_ =	sdelay $0x1  }
0x6c: {  	s19 =	simm.s32 $0x7400  }
0x6d: {  	[tilespmem:s19], [sflag:$0x1] =	stream.indirect_vreg.gather [hbm4b:s1+s3], $0x80, v4, vm0, $0xb8;
	[tilespmem:$0x18400] =	vst v63  }
0x6e: {  	s2 =	simm.s32 $0x7C00  }
0x6f: {  	[tilespmem:s2], [sflag:$0x1] =	stream.indirect_vreg.gather [hbm4b:s1+s3], $0x80, v3, vm0, $0xb8;
	[tilespmem:$0x18400] =	vst v63  }
0x70: {  	v3 =	vld [tilespmem:$0x80];
	_ =	sdelay $0x4  }
0x71: {  	v8 =	vshll.u32 v3, $0x1  }
0x72: {  	v3 =	vand.u32 $0x7, v3;
	v4 =	vand.u32 $0xFFFFFFF0, v8  }
0x73: {  	v3 =	vor.u32 v3, v4  }
0x74: {  	v4 =	vperm.xlane v3, v0;
	_ =	sdelay $0x1  }
0x75: {  	v3 =	vperm.xlane v3, v2;
	v4 =	vadd.s32 v1, v4;
	_ =	sdelay $0x1  }
0x76: {  	v3 =	vadd.s32 v1, v3;
	_ =	sdelay $0x2  }
0x77: {  	[tilespmem:s23], [sflag:$0x2] =	stream.indirect_vreg.gather [hbm4b:s1+s3], $0x80, v4, vm0, $0xb8;
	[tilespmem:$0x18400] =	vst v63  }
0x78: {  	s19 =	simm.s32 $0x8C00  }
0x79: {  	[tilespmem:s19], [sflag:$0x2] =	stream.indirect_vreg.gather [hbm4b:s1+s3], $0x80, v3, vm0, $0xb8;
	[tilespmem:$0x18400] =	vst v63  }
0x7a: {  	v3 =	vld [tilespmem:$0x90];
	_ =	sdelay $0x4  }
0x7b: {  	v9 =	vshll.u32 v3, $0x1  }
0x7c: {  	v3 =	vand.u32 $0x7, v3;
	v4 =	vand.u32 $0xFFFFFFF0, v9  }
0x7d: {  	v3 =	vor.u32 v3, v4  }
0x7e: {  	v4 =	vperm.xlane v3, v0;
	_ =	sdelay $0x1  }
0x7f: {  	v3 =	vperm.xlane v3, v2;
	v4 =	vadd.s32 v1, v4;
	_ =	sdelay $0x1  }
0x80: {  	v3 =	vadd.s32 v1, v3;
	_ =	sdelay $0x1  }
0x81: {  	s2 =	simm.s32 $0x9400  }
0x82: {  	[tilespmem:s2], [sflag:$0x2] =	stream.indirect_vreg.gather [hbm4b:s1+s3], $0x80, v4, vm0, $0xb8;
	[tilespmem:$0x18400] =	vst v63  }
0x83: {  	s19 =	simm.s32 $0x9C00  }
0x84: {  	[tilespmem:s19], [sflag:$0x2] =	stream.indirect_vreg.gather [hbm4b:s1+s3], $0x80, v3, vm0, $0xb8;
	[tilespmem:$0x18400] =	vst v63  }
0x85: {  	v3 =	vld [tilespmem:$0xA0];
	_ =	sdelay $0x4  }
0x86: {  	v10 =	vshll.u32 v3, $0x1  }
0x87: {  	v3 =	vand.u32 $0x7, v3;
	v4 =	vand.u32 $0xFFFFFFF0, v10  }
0x88: {  	v3 =	vor.u32 v3, v4  }
0x89: {  	v4 =	vperm.xlane v3, v0;
	_ =	sdelay $0x1  }
0x8a: {  	v3 =	vperm.xlane v3, v2;
	v4 =	vadd.s32 v1, v4;
	_ =	sdelay $0x1  }
0x8b: {  	v3 =	vadd.s32 v1, v3;
	_ =	sdelay $0x1  }
0x8c: {  	s2 =	simm.s32 $0xA400  }
0x8d: {  	[tilespmem:s2], [sflag:$0x2] =	stream.indirect_vreg.gather [hbm4b:s1+s3], $0x80, v4, vm0, $0xb8;
	[tilespmem:$0x18400] =	vst v63  }
0x8e: {  	s19 =	simm.s32 $0xAC00  }
0x8f: {  	[tilespmem:s19], [sflag:$0x2] =	stream.indirect_vreg.gather [hbm4b:s1+s3], $0x80, v3, vm0, $0xb8;
	[tilespmem:$0x18400] =	vst v63  }
0x90: {  	v3 =	vld [tilespmem:$0xB0];
	_ =	sdelay $0x4  }
0x91: {  	v11 =	vshll.u32 v3, $0x1  }
0x92: {  	v3 =	vand.u32 $0x7, v3;
	v4 =	vand.u32 $0xFFFFFFF0, v11  }
0x93: {  	v3 =	vor.u32 v3, v4  }
0x94: {  	v4 =	vperm.xlane v3, v0;
	_ =	sdelay $0x1  }
0x95: {  	v3 =	vperm.xlane v3, v2;
	v4 =	vadd.s32 v1, v4;
	_ =	sdelay $0x1  }
0x96: {  	v3 =	vadd.s32 v1, v3;
	_ =	sdelay $0x1  }
0x97: {  	s2 =	simm.s32 $0xB400  }
0x98: {  	[tilespmem:s2], [sflag:$0x2] =	stream.indirect_vreg.gather [hbm4b:s1+s3], $0x80, v4, vm0, $0xb8;
	[tilespmem:$0x18400] =	vst v63  }
0x99: {  	s19 =	simm.s32 $0xBC00  }
0x9a: {  	[tilespmem:s19], [sflag:$0x2] =	stream.indirect_vreg.gather [hbm4b:s1+s3], $0x80, v3, vm0, $0xb8;
	[tilespmem:$0x18400] =	vst v63  }
0x9b: {  	v3 =	vld [tilespmem:$0xC0];
	_ =	sdelay $0x4  }
0x9c: {  	v12 =	vshll.u32 v3, $0x1  }
0x9d: {  	v3 =	vand.u32 $0x7, v3;
	v4 =	vand.u32 $0xFFFFFFF0, v12  }
0x9e: {  	v3 =	vor.u32 v3, v4  }
0x9f: {  	v4 =	vperm.xlane v3, v0;
	_ =	sdelay $0x1  }
0xa0: {  	v3 =	vperm.xlane v3, v2;
	v4 =	vadd.s32 v1, v4;
	_ =	sdelay $0x1  }
0xa1: {  	v3 =	vadd.s32 v1, v3;
	_ =	sdelay $0x1  }
0xa2: {  	s2 =	simm.s32 $0xC400  }
0xa3: {  	[tilespmem:s2], [sflag:$0x2] =	stream.indirect_vreg.gather [hbm4b:s1+s3], $0x80, v4, vm0, $0xb8;
	[tilespmem:$0x18400] =	vst v63  }
0xa4: {  	s19 =	simm.s32 $0xCC00  }
0xa5: {  	[tilespmem:s19], [sflag:$0x2] =	stream.indirect_vreg.gather [hbm4b:s1+s3], $0x80, v3, vm0, $0xb8;
	[tilespmem:$0x18400] =	vst v63  }
0xa6: {  	v3 =	vld [tilespmem:$0xD0];
	_ =	sdelay $0x4  }
0xa7: {  	v13 =	vshll.u32 v3, $0x1  }
0xa8: {  	v3 =	vand.u32 $0x7, v3;
	v4 =	vand.u32 $0xFFFFFFF0, v13  }
0xa9: {  	v3 =	vor.u32 v3, v4  }
0xaa: {  	v4 =	vperm.xlane v3, v0;
	_ =	sdelay $0x1  }
0xab: {  	v3 =	vperm.xlane v3, v2;
	v4 =	vadd.s32 v1, v4;
	_ =	sdelay $0x1  }
0xac: {  	v3 =	vadd.s32 v1, v3;
	_ =	sdelay $0x1  }
0xad: {  	s2 =	simm.s32 $0xD400  }
0xae: {  	[tilespmem:s2], [sflag:$0x2] =	stream.indirect_vreg.gather [hbm4b:s1+s3], $0x80, v4, vm0, $0xb8;
	[tilespmem:$0x18400] =	vst v63  }
0xaf: {  	s19 =	simm.s32 $0xDC00  }
0xb0: {  	[tilespmem:s19], [sflag:$0x2] =	stream.indirect_vreg.gather [hbm4b:s1+s3], $0x80, v3, vm0, $0xb8;
	[tilespmem:$0x18400] =	vst v63  }
0xb1: {  	v3 =	vld [tilespmem:$0xE0];
	_ =	sdelay $0x4  }
0xb2: {  	v14 =	vshll.u32 v3, $0x1  }
0xb3: {  	v3 =	vand.u32 $0x7, v3;
	v4 =	vand.u32 $0xFFFFFFF0, v14  }
0xb4: {  	v3 =	vor.u32 v3, v4  }
0xb5: {  	v4 =	vperm.xlane v3, v0;
	_ =	sdelay $0x1  }
0xb6: {  	v3 =	vperm.xlane v3, v2;
	v4 =	vadd.s32 v1, v4;
	_ =	sdelay $0x1  }
0xb7: {  	v3 =	vadd.s32 v1, v3;
	_ =	sdelay $0x1  }
0xb8: {  	s2 =	simm.s32 $0xE400  }
0xb9: {  	[tilespmem:s2], [sflag:$0x2] =	stream.indirect_vreg.gather [hbm4b:s1+s3], $0x80, v4, vm0, $0xb8;
	[tilespmem:$0x18400] =	vst v63  }
0xba: {  	s19 =	simm.s32 $0xEC00  }
0xbb: {  	[tilespmem:s19], [sflag:$0x2] =	stream.indirect_vreg.gather [hbm4b:s1+s3], $0x80, v3, vm0, $0xb8;
	[tilespmem:$0x18400] =	vst v63  }
0xbc: {  	v3 =	vld [tilespmem:$0xF0];
	_ =	sdelay $0x4  }
0xbd: {  	v15 =	vshll.u32 v3, $0x1  }
0xbe: {  	v3 =	vand.u32 $0x7, v3;
	v4 =	vand.u32 $0xFFFFFFF0, v15  }
0xbf: {  	v3 =	vor.u32 v3, v4  }
0xc0: {  	v4 =	vperm.xlane v3, v0;
	_ =	sdelay $0x1  }
0xc1: {  	v3 =	vperm.xlane v3, v2;
	v4 =	vadd.s32 v1, v4;
	_ =	sdelay $0x1  }
0xc2: {  	v3 =	vadd.s32 v1, v3;
	_ =	sdelay $0x1  }
0xc3: {  	s2 =	simm.s32 $0xF400  }
0xc4: {  	[tilespmem:s2], [sflag:$0x2] =	stream.indirect_vreg.gather [hbm4b:s1+s3], $0x80, v4, vm0, $0xb8;
	[tilespmem:$0x18400] =	vst v63  }
0xc5: {  	s19 =	simm.s32 $0xFC00  }
0xc6: {  	[tilespmem:s19], [sflag:$0x2] =	stream.indirect_vreg.gather [hbm4b:s1+s3], $0x80, v3, vm0, $0xb8;
	[tilespmem:$0x18400] =	vst v63  }
0xc7: {  	v3 =	vld [tilespmem:$0x100];
	_ =	sdelay $0x4  }
0xc8: {  	v16 =	vshll.u32 v3, $0x1  }
0xc9: {  	v3 =	vand.u32 $0x7, v3;
	v4 =	vand.u32 $0xFFFFFFF0, v16  }
0xca: {  	v3 =	vor.u32 v3, v4  }
0xcb: {  	v4 =	vperm.xlane v3, v0;
	_ =	sdelay $0x1  }
0xcc: {  	v3 =	vperm.xlane v3, v2;
	v4 =	vadd.s32 v1, v4;
	_ =	sdelay $0x1  }
0xcd: {  	v3 =	vadd.s32 v1, v3;
	_ =	sdelay $0x1  }
0xce: {  	s0 =	simm.s32 $0x10400  }
0xcf: {  	[tilespmem:s0], [sflag:$0x3] =	stream.indirect_vreg.gather [hbm4b:s1+s3], $0x80, v4, vm0, $0xb8;
	[tilespmem:$0x18400] =	vst v63  }
0xd0: {  	_ = 	snop  }
0xd1: {  	[tilespmem:s7], [sflag:$0x3] =	stream.indirect_vreg.gather [hbm4b:s1+s3], $0x80, v3, vm0, $0xb8;
	[tilespmem:$0x18400] =	vst v63  }
0xd2: {  	v3 =	vld [tilespmem:$0x110];
	_ =	sdelay $0x4  }
0xd3: {  	v17 =	vshll.u32 v3, $0x1  }
0xd4: {  	v3 =	vand.u32 $0x7, v3;
	v4 =	vand.u32 $0xFFFFFFF0, v17  }
0xd5: {  	v3 =	vor.u32 v3, v4  }
0xd6: {  	v4 =	vperm.xlane v3, v0;
	_ =	sdelay $0x1  }
0xd7: {  	v3 =	vperm.xlane v3, v2;
	v4 =	vadd.s32 v1, v4;
	_ =	sdelay $0x1  }
0xd8: {  	v3 =	vadd.s32 v1, v3;
	_ =	sdelay $0x2  }
0xd9: {  	[tilespmem:s10], [sflag:$0x3] =	stream.indirect_vreg.gather [hbm4b:s1+s3], $0x80, v4, vm0, $0xb8;
	[tilespmem:$0x18400] =	vst v63  }
0xda: {  	_ = 	snop  }
0xdb: {  	[tilespmem:s11], [sflag:$0x3] =	stream.indirect_vreg.gather [hbm4b:s1+s3], $0x80, v3, vm0, $0xb8;
	[tilespmem:$0x18400] =	vst v63  }
0xdc: {  	v3 =	vld [tilespmem:$0x120];
	_ =	sdelay $0x4  }
0xdd: {  	v18 =	vshll.u32 v3, $0x1  }
0xde: {  	v3 =	vand.u32 $0x7, v3;
	v4 =	vand.u32 $0xFFFFFFF0, v18  }
0xdf: {  	v3 =	vor.u32 v3, v4  }
0xe0: {  	v4 =	vperm.xlane v3, v0;
	_ =	sdelay $0x1  }
0xe1: {  	v3 =	vperm.xlane v3, v2;
	v4 =	vadd.s32 v1, v4;
	_ =	sdelay $0x1  }
0xe2: {  	v3 =	vadd.s32 v1, v3;
	_ =	sdelay $0x2  }
0xe3: {  	[tilespmem:s12], [sflag:$0x3] =	stream.indirect_vreg.gather [hbm4b:s1+s3], $0x80, v4, vm0, $0xb8;
	[tilespmem:$0x18400] =	vst v63  }
0xe4: {  	s2 =	simm.s32 $0x12C00  }
0xe5: {  	[tilespmem:s2], [sflag:$0x3] =	stream.indirect_vreg.gather [hbm4b:s1+s3], $0x80, v3, vm0, $0xb8;
	[tilespmem:$0x18400] =	vst v63  }
0xe6: {  	v3 =	vld [tilespmem:$0x130];
	_ =	sdelay $0x4  }
0xe7: {  	v19 =	vshll.u32 v3, $0x1  }
0xe8: {  	v3 =	vand.u32 $0x7, v3;
	v4 =	vand.u32 $0xFFFFFFF0, v19  }
0xe9: {  	v3 =	vor.u32 v3, v4  }
0xea: {  	v4 =	vperm.xlane v3, v0;
	_ =	sdelay $0x1  }
0xeb: {  	v3 =	vperm.xlane v3, v2;
	v4 =	vadd.s32 v1, v4;
	_ =	sdelay $0x1  }
0xec: {  	v3 =	vadd.s32 v1, v3;
	_ =	sdelay $0x2  }
0xed: {  	[tilespmem:s4], [sflag:$0x3] =	stream.indirect_vreg.gather [hbm4b:s1+s3], $0x80, v4, vm0, $0xb8;
	[tilespmem:$0x18400] =	vst v63  }
0xee: {  	_ = 	snop  }
0xef: {  	[tilespmem:s6], [sflag:$0x3] =	stream.indirect_vreg.gather [hbm4b:s1+s3], $0x80, v3, vm0, $0xb8;
	[tilespmem:$0x18400] =	vst v63  }
0xf0: {  	v3 =	vld [tilespmem:$0x140];
	_ =	sdelay $0x4  }
0xf1: {  	v20 =	vshll.u32 v3, $0x1  }
0xf2: {  	v3 =	vand.u32 $0x7, v3;
	v4 =	vand.u32 $0xFFFFFFF0, v20  }
0xf3: {  	v3 =	vor.u32 v3, v4  }
0xf4: {  	v4 =	vperm.xlane v3, v0;
	_ =	sdelay $0x1  }
0xf5: {  	v3 =	vperm.xlane v3, v2;
	v4 =	vadd.s32 v1, v4;
	_ =	sdelay $0x1  }
0xf6: {  	v3 =	vadd.s32 v1, v3;
	_ =	sdelay $0x2  }
0xf7: {  	[tilespmem:s8], [sflag:$0x3] =	stream.indirect_vreg.gather [hbm4b:s1+s3], $0x80, v4, vm0, $0xb8;
	[tilespmem:$0x18400] =	vst v63  }
0xf8: {  	_ = 	snop  }
0xf9: {  	[tilespmem:s9], [sflag:$0x3] =	stream.indirect_vreg.gather [hbm4b:s1+s3], $0x80, v3, vm0, $0xb8;
	[tilespmem:$0x18400] =	vst v63  }
0xfa: {  	v3 =	vld [tilespmem:$0x150];
	_ =	sdelay $0x4  }
0xfb: {  	v21 =	vshll.u32 v3, $0x1  }
0xfc: {  	v3 =	vand.u32 $0x7, v3;
	v4 =	vand.u32 $0xFFFFFFF0, v21  }
0xfd: {  	v3 =	vor.u32 v3, v4  }
0xfe: {  	v4 =	vperm.xlane v3, v0;
	_ =	sdelay $0x1  }
0xff: {  	v3 =	vperm.xlane v3, v2;
	v4 =	vadd.s32 v1, v4;
	_ =	sdelay $0x1  }
0x100: {  	v3 =	vadd.s32 v1, v3;
	_ =	sdelay $0x2  }
0x101: {  	[tilespmem:s20], [sflag:$0x3] =	stream.indirect_vreg.gather [hbm4b:s1+s3], $0x80, v4, vm0, $0xb8;
	[tilespmem:$0x18400] =	vst v63  }
0x102: {  	_ = 	snop  }
0x103: {  	[tilespmem:s21], [sflag:$0x3] =	stream.indirect_vreg.gather [hbm4b:s1+s3], $0x80, v3, vm0, $0xb8;
	[tilespmem:$0x18400] =	vst v63  }
0x104: {  	v3 =	vld [tilespmem:$0x160];
	_ =	sdelay $0x4  }
0x105: {  	v22 =	vshll.u32 v3, $0x1  }
0x106: {  	v3 =	vand.u32 $0x7, v3;
	v4 =	vand.u32 $0xFFFFFFF0, v22  }
0x107: {  	v3 =	vor.u32 v3, v4  }
0x108: {  	v4 =	vperm.xlane v3, v0;
	_ =	sdelay $0x1  }
0x109: {  	v3 =	vperm.xlane v3, v2;
	v4 =	vadd.s32 v1, v4;
	_ =	sdelay $0x1  }
0x10a: {  	v3 =	vadd.s32 v1, v3;
	_ =	sdelay $0x2  }
0x10b: {  	[tilespmem:s22], [sflag:$0x3] =	stream.indirect_vreg.gather [hbm4b:s1+s3], $0x80, v4, vm0, $0xb8;
	[tilespmem:$0x18400] =	vst v63  }
0x10c: {  	_ = 	snop  }
0x10d: {  	[tilespmem:s24], [sflag:$0x3] =	stream.indirect_vreg.gather [hbm4b:s1+s3], $0x80, v3, vm0, $0xb8;
	[tilespmem:$0x18400] =	vst v63  }
0x10e: {  	v3 =	vld [tilespmem:$0x170];
	_ =	sdelay $0x4  }
0x10f: {  	v23 =	vshll.u32 v3, $0x1  }
0x110: {  	v3 =	vand.u32 $0x7, v3;
	v4 =	vand.u32 $0xFFFFFFF0, v23  }
0x111: {  	v3 =	vor.u32 v3, v4  }
0x112: {  	v4 =	vperm.xlane v3, v0;
	_ =	sdelay $0x1  }
0x113: {  	v3 =	vperm.xlane v3, v2;
	v4 =	vadd.s32 v1, v4;
	_ =	sdelay $0x1  }
0x114: {  	v3 =	vadd.s32 v1, v3;
	_ =	sdelay $0x2  }
0x115: {  	[tilespmem:s25], [sflag:$0x3] =	stream.indirect_vreg.gather [hbm4b:s1+s3], $0x80, v4, vm0, $0xb8;
	[tilespmem:$0x18400] =	vst v63  }
0x116: {  	_ = 	snop  }
0x117: {  	[tilespmem:s26], [sflag:$0x3] =	stream.indirect_vreg.gather [hbm4b:s1+s3], $0x80, v3, vm0, $0xb8;
	[tilespmem:$0x18400] =	vst v63  }
0x118: {  	_ =	swait.ge [sflag:s13], $0x8000  }
0x119: {  	[sflag:s13] =	ssyncset.done $0x0  }
0x11a: {  	s19 =	rddreg [dreg:$0xc];
	[sflag:s13] =	ssyncadd.s32 $0xFFFF8000  }
0x11b: {  	[hbm4b:s19+s3] =	stream.linear.scatter [tilespmem:s28], [sflag:$0x4], $0x8000, $0x38;
	[tilespmem:$0x18400] =	vst v63  }
0x11c: {  	_ =	swait.ge [sflag:s14], $0x8000  }
0x11d: {  	[sflag:s14] =	ssyncset.done $0x0  }
0x11e: {  	[sflag:s14] =	ssyncadd.s32 $0xFFFF8000  }
0x11f: {  	v3 =	vld [tilespmem:$0x180];
	_ =	sdelay $0x4  }
0x120: {  	v24 =	vshll.u32 v3, $0x1  }
0x121: {  	v3 =	vand.u32 $0x7, v3;
	v4 =	vand.u32 $0xFFFFFFF0, v24  }
0x122: {  	v3 =	vor.u32 v3, v4  }
0x123: {  	v4 =	vperm.xlane v3, v0;
	_ =	sdelay $0x1  }
0x124: {  	v3 =	vperm.xlane v3, v2;
	v4 =	vadd.s32 v1, v4;
	_ =	sdelay $0x1  }
0x125: {  	v3 =	vadd.s32 v1, v3;
	_ =	sdelay $0x2  }
0x126: {  	[tilespmem:s28], [sflag:$0x1] =	stream.indirect_vreg.gather [hbm4b:s1+s3], $0x80, v4, vm0, $0xb8;
	[tilespmem:$0x18400] =	vst v63  }
0x127: {  	s19 =	simm.s32 $0xC00  }
0x128: {  	[tilespmem:s19], [sflag:$0x1] =	stream.indirect_vreg.gather [hbm4b:s1+s3], $0x80, v3, vm0, $0xb8;
	[tilespmem:$0x18400] =	vst v63  }
0x129: {  	v3 =	vld [tilespmem:$0x190];
	_ =	sdelay $0x4  }
0x12a: {  	v25 =	vshll.u32 v3, $0x1  }
0x12b: {  	v3 =	vand.u32 $0x7, v3;
	v4 =	vand.u32 $0xFFFFFFF0, v25  }
0x12c: {  	v3 =	vor.u32 v3, v4  }
0x12d: {  	v4 =	vperm.xlane v3, v0;
	_ =	sdelay $0x1  }
0x12e: {  	v3 =	vperm.xlane v3, v2;
	v4 =	vadd.s32 v1, v4;
	_ =	sdelay $0x1  }
0x12f: {  	v3 =	vadd.s32 v1, v3;
	_ =	sdelay $0x1  }
0x130: {  	s19 =	simm.s32 $0x1400  }
0x131: {  	[tilespmem:s19], [sflag:$0x1] =	stream.indirect_vreg.gather [hbm4b:s1+s3], $0x80, v4, vm0, $0xb8;
	[tilespmem:$0x18400] =	vst v63  }
0x132: {  	s19 =	simm.s32 $0x1C00  }
0x133: {  	[tilespmem:s19], [sflag:$0x1] =	stream.indirect_vreg.gather [hbm4b:s1+s3], $0x80, v3, vm0, $0xb8;
	[tilespmem:$0x18400] =	vst v63  }
0x134: {  	v3 =	vld [tilespmem:$0x1A0];
	_ =	sdelay $0x4  }
0x135: {  	v26 =	vshll.u32 v3, $0x1  }
0x136: {  	v3 =	vand.u32 $0x7, v3;
	v4 =	vand.u32 $0xFFFFFFF0, v26  }
0x137: {  	v3 =	vor.u32 v3, v4  }
0x138: {  	v4 =	vperm.xlane v3, v0;
	_ =	sdelay $0x1  }
0x139: {  	v3 =	vperm.xlane v3, v2;
	v4 =	vadd.s32 v1, v4;
	_ =	sdelay $0x1  }
0x13a: {  	v3 =	vadd.s32 v1, v3;
	_ =	sdelay $0x1  }
0x13b: {  	s19 =	simm.s32 $0x2400  }
0x13c: {  	[tilespmem:s19], [sflag:$0x1] =	stream.indirect_vreg.gather [hbm4b:s1+s3], $0x80, v4, vm0, $0xb8;
	[tilespmem:$0x18400] =	vst v63  }
0x13d: {  	s19 =	simm.s32 $0x2C00  }
0x13e: {  	[tilespmem:s19], [sflag:$0x1] =	stream.indirect_vreg.gather [hbm4b:s1+s3], $0x80, v3, vm0, $0xb8;
	[tilespmem:$0x18400] =	vst v63  }
0x13f: {  	v3 =	vld [tilespmem:$0x1B0];
	_ =	sdelay $0x4  }
0x140: {  	v27 =	vshll.u32 v3, $0x1  }
0x141: {  	v3 =	vand.u32 $0x7, v3;
	v4 =	vand.u32 $0xFFFFFFF0, v27  }
0x142: {  	v3 =	vor.u32 v3, v4  }
0x143: {  	v4 =	vperm.xlane v3, v0;
	_ =	sdelay $0x1  }
0x144: {  	v3 =	vperm.xlane v3, v2;
	v4 =	vadd.s32 v1, v4;
	_ =	sdelay $0x1  }
0x145: {  	v3 =	vadd.s32 v1, v3;
	_ =	sdelay $0x1  }
0x146: {  	s19 =	simm.s32 $0x3400  }
0x147: {  	[tilespmem:s19], [sflag:$0x1] =	stream.indirect_vreg.gather [hbm4b:s1+s3], $0x80, v4, vm0, $0xb8;
	[tilespmem:$0x18400] =	vst v63  }
0x148: {  	s19 =	simm.s32 $0x3C00  }
0x149: {  	[tilespmem:s19], [sflag:$0x1] =	stream.indirect_vreg.gather [hbm4b:s1+s3], $0x80, v3, vm0, $0xb8;
	[tilespmem:$0x18400] =	vst v63  }
0x14a: {  	v3 =	vld [tilespmem:$0x1C0];
	_ =	sdelay $0x4  }
0x14b: {  	v28 =	vshll.u32 v3, $0x1  }
0x14c: {  	v3 =	vand.u32 $0x7, v3;
	v4 =	vand.u32 $0xFFFFFFF0, v28  }
0x14d: {  	v3 =	vor.u32 v3, v4  }
0x14e: {  	v4 =	vperm.xlane v3, v0;
	_ =	sdelay $0x1  }
0x14f: {  	v3 =	vperm.xlane v3, v2;
	v4 =	vadd.s32 v1, v4;
	_ =	sdelay $0x1  }
0x150: {  	v3 =	vadd.s32 v1, v3;
	_ =	sdelay $0x2  }
0x151: {  	[tilespmem:s29], [sflag:$0x1] =	stream.indirect_vreg.gather [hbm4b:s1+s3], $0x80, v4, vm0, $0xb8;
	[tilespmem:$0x18400] =	vst v63  }
0x152: {  	_ = 	snop  }
0x153: {  	[tilespmem:s30], [sflag:$0x1] =	stream.indirect_vreg.gather [hbm4b:s1+s3], $0x80, v3, vm0, $0xb8;
	[tilespmem:$0x18400] =	vst v63  }
0x154: {  	v3 =	vld [tilespmem:$0x1D0];
	_ =	sdelay $0x4  }
0x155: {  	v29 =	vshll.u32 v3, $0x1  }
0x156: {  	v3 =	vand.u32 $0x7, v3;
	v4 =	vand.u32 $0xFFFFFFF0, v29  }
0x157: {  	v3 =	vor.u32 v3, v4  }
0x158: {  	v4 =	vperm.xlane v3, v0;
	_ =	sdelay $0x1  }
0x159: {  	v3 =	vperm.xlane v3, v2;
	v4 =	vadd.s32 v1, v4;
	_ =	sdelay $0x1  }
0x15a: {  	v3 =	vadd.s32 v1, v3;
	_ =	sdelay $0x2  }
0x15b: {  	[tilespmem:s31], [sflag:$0x1] =	stream.indirect_vreg.gather [hbm4b:s1+s3], $0x80, v4, vm0, $0xb8;
	[tilespmem:$0x18400] =	vst v63  }
0x15c: {  	s19 =	simm.s32 $0x5C00  }
0x15d: {  	[tilespmem:s19], [sflag:$0x1] =	stream.indirect_vreg.gather [hbm4b:s1+s3], $0x80, v3, vm0, $0xb8;
	[tilespmem:$0x18400] =	vst v63  }
0x15e: {  	v3 =	vld [tilespmem:$0x1E0];
	_ =	sdelay $0x4  }
0x15f: {  	v30 =	vshll.u32 v3, $0x1  }
0x160: {  	v3 =	vand.u32 $0x7, v3;
	v4 =	vand.u32 $0xFFFFFFF0, v30  }
0x161: {  	v3 =	vor.u32 v3, v4  }
0x162: {  	v4 =	vperm.xlane v3, v0;
	_ =	sdelay $0x1  }
0x163: {  	v3 =	vperm.xlane v3, v2;
	v4 =	vadd.s32 v1, v4;
	_ =	sdelay $0x1  }
0x164: {  	v3 =	vadd.s32 v1, v3;
	_ =	sdelay $0x1  }
0x165: {  	s19 =	simm.s32 $0x6400  }
0x166: {  	[tilespmem:s19], [sflag:$0x1] =	stream.indirect_vreg.gather [hbm4b:s1+s3], $0x80, v4, vm0, $0xb8;
	[tilespmem:$0x18400] =	vst v63  }
0x167: {  	s19 =	simm.s32 $0x6C00  }
0x168: {  	[tilespmem:s19], [sflag:$0x1] =	stream.indirect_vreg.gather [hbm4b:s1+s3], $0x80, v3, vm0, $0xb8;
	[tilespmem:$0x18400] =	vst v63  }
0x169: {  	v3 =	vld [tilespmem:$0x1F0];
	_ =	sdelay $0x4  }
0x16a: {  	v31 =	vshll.u32 v3, $0x1  }
0x16b: {  	v3 =	vand.u32 $0x7, v3;
	v4 =	vand.u32 $0xFFFFFFF0, v31  }
0x16c: {  	v3 =	vor.u32 v3, v4  }
0x16d: {  	v4 =	vperm.xlane v3, v0;
	_ =	sdelay $0x1  }
0x16e: {  	v3 =	vperm.xlane v3, v2;
	v4 =	vadd.s32 v1, v4;
	_ =	sdelay $0x1  }
0x16f: {  	v3 =	vadd.s32 v1, v3;
	_ =	sdelay $0x1  }
0x170: {  	s19 =	simm.s32 $0x7400  }
0x171: {  	[tilespmem:s19], [sflag:$0x1] =	stream.indirect_vreg.gather [hbm4b:s1+s3], $0x80, v4, vm0, $0xb8;
	[tilespmem:$0x18400] =	vst v63  }
0x172: {  	s19 =	simm.s32 $0x7C00  }
0x173: {  	[tilespmem:s19], [sflag:$0x1] =	stream.indirect_vreg.gather [hbm4b:s1+s3], $0x80, v3, vm0, $0xb8;
	[tilespmem:$0x18400] =	vst v63  }
0x174: {  	_ =	swait.ge [sflag:s15], $0x8000  }
0x175: {  	[sflag:s15] =	ssyncset.done $0x0  }
0x176: {  	s19 =	rddreg [dreg:$0x5];
	[sflag:s15] =	ssyncadd.s32 $0xFFFF8000  }
0x177: {  	[hbm4b:s19+s3] =	stream.linear.scatter [tilespmem:s23], [sflag:$0x5], $0x8000, $0x38;
	[tilespmem:$0x18400] =	vst v63  }
0x178: {  	_ =	swait.ge [sflag:s16], $0x8000  }
0x179: {  	[sflag:s16] =	ssyncset.done $0x0  }
0x17a: {  	[sflag:s16] =	ssyncadd.s32 $0xFFFF8000  }
0x17b: {  	v3 =	vld [tilespmem:$0x200];
	_ =	sdelay $0x4  }
0x17c: {  	v32 =	vshll.u32 v3, $0x1  }
0x17d: {  	v3 =	vand.u32 $0x7, v3;
	v4 =	vand.u32 $0xFFFFFFF0, v32  }
0x17e: {  	v3 =	vor.u32 v3, v4  }
0x17f: {  	v4 =	vperm.xlane v3, v0;
	_ =	sdelay $0x1  }
0x180: {  	v3 =	vperm.xlane v3, v2;
	v4 =	vadd.s32 v1, v4;
	_ =	sdelay $0x1  }
0x181: {  	v3 =	vadd.s32 v1, v3;
	_ =	sdelay $0x2  }
0x182: {  	[tilespmem:s23], [sflag:$0x2] =	stream.indirect_vreg.gather [hbm4b:s1+s3], $0x80, v4, vm0, $0xb8;
	[tilespmem:$0x18400] =	vst v63  }
0x183: {  	s19 =	simm.s32 $0x8C00  }
0x184: {  	[tilespmem:s19], [sflag:$0x2] =	stream.indirect_vreg.gather [hbm4b:s1+s3], $0x80, v3, vm0, $0xb8;
	[tilespmem:$0x18400] =	vst v63  }
0x185: {  	v3 =	vld [tilespmem:$0x210];
	_ =	sdelay $0x4  }
0x186: {  	v33 =	vshll.u32 v3, $0x1  }
0x187: {  	v3 =	vand.u32 $0x7, v3;
	v4 =	vand.u32 $0xFFFFFFF0, v33  }
0x188: {  	v3 =	vor.u32 v3, v4  }
0x189: {  	v4 =	vperm.xlane v3, v0;
	_ =	sdelay $0x1  }
0x18a: {  	v3 =	vperm.xlane v3, v2;
	v4 =	vadd.s32 v1, v4;
	_ =	sdelay $0x1  }
0x18b: {  	v3 =	vadd.s32 v1, v3;
	_ =	sdelay $0x1  }
0x18c: {  	s19 =	simm.s32 $0x9400  }
0x18d: {  	[tilespmem:s19], [sflag:$0x2] =	stream.indirect_vreg.gather [hbm4b:s1+s3], $0x80, v4, vm0, $0xb8;
	[tilespmem:$0x18400] =	vst v63  }
0x18e: {  	s19 =	simm.s32 $0x9C00  }
0x18f: {  	[tilespmem:s19], [sflag:$0x2] =	stream.indirect_vreg.gather [hbm4b:s1+s3], $0x80, v3, vm0, $0xb8;
	[tilespmem:$0x18400] =	vst v63  }
0x190: {  	v3 =	vld [tilespmem:$0x220];
	_ =	sdelay $0x4  }
0x191: {  	v34 =	vshll.u32 v3, $0x1  }
0x192: {  	v3 =	vand.u32 $0x7, v3;
	v4 =	vand.u32 $0xFFFFFFF0, v34  }
0x193: {  	v3 =	vor.u32 v3, v4  }
0x194: {  	v4 =	vperm.xlane v3, v0;
	_ =	sdelay $0x1  }
0x195: {  	v3 =	vperm.xlane v3, v2;
	v4 =	vadd.s32 v1, v4;
	_ =	sdelay $0x1  }
0x196: {  	v3 =	vadd.s32 v1, v3;
	_ =	sdelay $0x1  }
0x197: {  	s19 =	simm.s32 $0xA400  }
0x198: {  	[tilespmem:s19], [sflag:$0x2] =	stream.indirect_vreg.gather [hbm4b:s1+s3], $0x80, v4, vm0, $0xb8;
	[tilespmem:$0x18400] =	vst v63  }
0x199: {  	s19 =	simm.s32 $0xAC00  }
0x19a: {  	[tilespmem:s19], [sflag:$0x2] =	stream.indirect_vreg.gather [hbm4b:s1+s3], $0x80, v3, vm0, $0xb8;
	[tilespmem:$0x18400] =	vst v63  }
0x19b: {  	v3 =	vld [tilespmem:$0x230];
	_ =	sdelay $0x4  }
0x19c: {  	v35 =	vshll.u32 v3, $0x1  }
0x19d: {  	v3 =	vand.u32 $0x7, v3;
	v4 =	vand.u32 $0xFFFFFFF0, v35  }
0x19e: {  	v3 =	vor.u32 v3, v4  }
0x19f: {  	v4 =	vperm.xlane v3, v0;
	_ =	sdelay $0x1  }
0x1a0: {  	v3 =	vperm.xlane v3, v2;
	v4 =	vadd.s32 v1, v4;
	_ =	sdelay $0x1  }
0x1a1: {  	v3 =	vadd.s32 v1, v3;
	_ =	sdelay $0x1  }
0x1a2: {  	s19 =	simm.s32 $0xB400  }
0x1a3: {  	[tilespmem:s19], [sflag:$0x2] =	stream.indirect_vreg.gather [hbm4b:s1+s3], $0x80, v4, vm0, $0xb8;
	[tilespmem:$0x18400] =	vst v63  }
0x1a4: {  	s19 =	simm.s32 $0xBC00  }
0x1a5: {  	[tilespmem:s19], [sflag:$0x2] =	stream.indirect_vreg.gather [hbm4b:s1+s3], $0x80, v3, vm0, $0xb8;
	[tilespmem:$0x18400] =	vst v63  }
0x1a6: {  	v3 =	vld [tilespmem:$0x240];
	_ =	sdelay $0x4  }
0x1a7: {  	v36 =	vshll.u32 v3, $0x1  }
0x1a8: {  	v3 =	vand.u32 $0x7, v3;
	v4 =	vand.u32 $0xFFFFFFF0, v36  }
0x1a9: {  	v3 =	vor.u32 v3, v4  }
0x1aa: {  	v4 =	vperm.xlane v3, v0;
	_ =	sdelay $0x1  }
0x1ab: {  	v3 =	vperm.xlane v3, v2;
	v4 =	vadd.s32 v1, v4;
	_ =	sdelay $0x1  }
0x1ac: {  	v3 =	vadd.s32 v1, v3;
	_ =	sdelay $0x1  }
0x1ad: {  	s19 =	simm.s32 $0xC400  }
0x1ae: {  	[tilespmem:s19], [sflag:$0x2] =	stream.indirect_vreg.gather [hbm4b:s1+s3], $0x80, v4, vm0, $0xb8;
	[tilespmem:$0x18400] =	vst v63  }
0x1af: {  	s19 =	simm.s32 $0xCC00  }
0x1b0: {  	[tilespmem:s19], [sflag:$0x2] =	stream.indirect_vreg.gather [hbm4b:s1+s3], $0x80, v3, vm0, $0xb8;
	[tilespmem:$0x18400] =	vst v63  }
0x1b1: {  	v3 =	vld [tilespmem:$0x250];
	_ =	sdelay $0x4  }
0x1b2: {  	v37 =	vshll.u32 v3, $0x1  }
0x1b3: {  	v3 =	vand.u32 $0x7, v3;
	v4 =	vand.u32 $0xFFFFFFF0, v37  }
0x1b4: {  	v3 =	vor.u32 v3, v4  }
0x1b5: {  	v4 =	vperm.xlane v3, v0;
	_ =	sdelay $0x1  }
0x1b6: {  	v3 =	vperm.xlane v3, v2;
	v4 =	vadd.s32 v1, v4;
	_ =	sdelay $0x1  }
0x1b7: {  	v3 =	vadd.s32 v1, v3;
	_ =	sdelay $0x1  }
0x1b8: {  	s19 =	simm.s32 $0xD400  }
0x1b9: {  	[tilespmem:s19], [sflag:$0x2] =	stream.indirect_vreg.gather [hbm4b:s1+s3], $0x80, v4, vm0, $0xb8;
	[tilespmem:$0x18400] =	vst v63  }
0x1ba: {  	s19 =	simm.s32 $0xDC00  }
0x1bb: {  	[tilespmem:s19], [sflag:$0x2] =	stream.indirect_vreg.gather [hbm4b:s1+s3], $0x80, v3, vm0, $0xb8;
	[tilespmem:$0x18400] =	vst v63  }
0x1bc: {  	v3 =	vld [tilespmem:$0x260];
	_ =	sdelay $0x4  }
0x1bd: {  	v38 =	vshll.u32 v3, $0x1  }
0x1be: {  	v3 =	vand.u32 $0x7, v3;
	v4 =	vand.u32 $0xFFFFFFF0, v38  }
0x1bf: {  	v3 =	vor.u32 v3, v4  }
0x1c0: {  	v4 =	vperm.xlane v3, v0;
	_ =	sdelay $0x1  }
0x1c1: {  	v3 =	vperm.xlane v3, v2;
	v4 =	vadd.s32 v1, v4;
	_ =	sdelay $0x1  }
0x1c2: {  	v3 =	vadd.s32 v1, v3;
	_ =	sdelay $0x1  }
0x1c3: {  	s19 =	simm.s32 $0xE400  }
0x1c4: {  	[tilespmem:s19], [sflag:$0x2] =	stream.indirect_vreg.gather [hbm4b:s1+s3], $0x80, v4, vm0, $0xb8;
	[tilespmem:$0x18400] =	vst v63  }
0x1c5: {  	s19 =	simm.s32 $0xEC00  }
0x1c6: {  	[tilespmem:s19], [sflag:$0x2] =	stream.indirect_vreg.gather [hbm4b:s1+s3], $0x80, v3, vm0, $0xb8;
	[tilespmem:$0x18400] =	vst v63  }
0x1c7: {  	v3 =	vld [tilespmem:$0x270];
	_ =	sdelay $0x4  }
0x1c8: {  	v39 =	vshll.u32 v3, $0x1  }
0x1c9: {  	v3 =	vand.u32 $0x7, v3;
	v4 =	vand.u32 $0xFFFFFFF0, v39  }
0x1ca: {  	v3 =	vor.u32 v3, v4  }
0x1cb: {  	v4 =	vperm.xlane v3, v0;
	_ =	sdelay $0x1  }
0x1cc: {  	v3 =	vperm.xlane v3, v2;
	v4 =	vadd.s32 v1, v4;
	_ =	sdelay $0x1  }
0x1cd: {  	v3 =	vadd.s32 v1, v3;
	_ =	sdelay $0x1  }
0x1ce: {  	s19 =	simm.s32 $0xF400  }
0x1cf: {  	[tilespmem:s19], [sflag:$0x2] =	stream.indirect_vreg.gather [hbm4b:s1+s3], $0x80, v4, vm0, $0xb8;
	[tilespmem:$0x18400] =	vst v63  }
0x1d0: {  	s19 =	simm.s32 $0xFC00  }
0x1d1: {  	[tilespmem:s19], [sflag:$0x2] =	stream.indirect_vreg.gather [hbm4b:s1+s3], $0x80, v3, vm0, $0xb8;
	[tilespmem:$0x18400] =	vst v63  }
0x1d2: {  	_ =	swait.ge [sflag:s17], $0x8000  }
0x1d3: {  	[sflag:s17] =	ssyncset.done $0x0  }
0x1d4: {  	s19 =	rddreg [dreg:$0x6];
	[sflag:s17] =	ssyncadd.s32 $0xFFFF8000  }
0x1d5: {  	[hbm4b:s19+s3] =	stream.linear.scatter [tilespmem:s0], [sflag:$0x6], $0x8000, $0x38;
	[tilespmem:$0x18400] =	vst v63  }
0x1d6: {  	_ =	swait.ge [sflag:s18], $0x8000  }
0x1d7: {  	[sflag:s18] =	ssyncset.done $0x0  }
0x1d8: {  	[sflag:s18] =	ssyncadd.s32 $0xFFFF8000  }
0x1d9: {  	v3 =	vld [tilespmem:$0x280];
	_ =	sdelay $0x4  }
0x1da: {  	v40 =	vshll.u32 v3, $0x1  }
0x1db: {  	v3 =	vand.u32 $0x7, v3;
	v4 =	vand.u32 $0xFFFFFFF0, v40  }
0x1dc: {  	v3 =	vor.u32 v3, v4  }
0x1dd: {  	v4 =	vperm.xlane v3, v0;
	_ =	sdelay $0x1  }
0x1de: {  	v3 =	vperm.xlane v3, v2;
	v4 =	vadd.s32 v1, v4;
	_ =	sdelay $0x1  }
0x1df: {  	v3 =	vadd.s32 v1, v3;
	_ =	sdelay $0x2  }
0x1e0: {  	[tilespmem:s0], [sflag:$0x3] =	stream.indirect_vreg.gather [hbm4b:s1+s3], $0x80, v4, vm0, $0xb8;
	[tilespmem:$0x18400] =	vst v63  }
0x1e1: {  	_ = 	snop  }
0x1e2: {  	[tilespmem:s7], [sflag:$0x3] =	stream.indirect_vreg.gather [hbm4b:s1+s3], $0x80, v3, vm0, $0xb8;
	[tilespmem:$0x18400] =	vst v63  }
0x1e3: {  	v3 =	vld [tilespmem:$0x290];
	_ =	sdelay $0x4  }
0x1e4: {  	v41 =	vshll.u32 v3, $0x1  }
0x1e5: {  	v3 =	vand.u32 $0x7, v3;
	v4 =	vand.u32 $0xFFFFFFF0, v41  }
0x1e6: {  	v3 =	vor.u32 v3, v4  }
0x1e7: {  	v4 =	vperm.xlane v3, v0;
	_ =	sdelay $0x1  }
0x1e8: {  	v3 =	vperm.xlane v3, v2;
	v4 =	vadd.s32 v1, v4;
	_ =	sdelay $0x1  }
0x1e9: {  	v3 =	vadd.s32 v1, v3;
	_ =	sdelay $0x2  }
0x1ea: {  	[tilespmem:s10], [sflag:$0x3] =	stream.indirect_vreg.gather [hbm4b:s1+s3], $0x80, v4, vm0, $0xb8;
	[tilespmem:$0x18400] =	vst v63  }
0x1eb: {  	_ = 	snop  }
0x1ec: {  	[tilespmem:s11], [sflag:$0x3] =	stream.indirect_vreg.gather [hbm4b:s1+s3], $0x80, v3, vm0, $0xb8;
	[tilespmem:$0x18400] =	vst v63  }
0x1ed: {  	v3 =	vld [tilespmem:$0x2A0];
	_ =	sdelay $0x4  }
0x1ee: {  	v42 =	vshll.u32 v3, $0x1  }
0x1ef: {  	v3 =	vand.u32 $0x7, v3;
	v4 =	vand.u32 $0xFFFFFFF0, v42  }
0x1f0: {  	v3 =	vor.u32 v3, v4  }
0x1f1: {  	v4 =	vperm.xlane v3, v0;
	_ =	sdelay $0x1  }
0x1f2: {  	v3 =	vperm.xlane v3, v2;
	v4 =	vadd.s32 v1, v4;
	_ =	sdelay $0x1  }
0x1f3: {  	v3 =	vadd.s32 v1, v3;
	_ =	sdelay $0x2  }
0x1f4: {  	[tilespmem:s12], [sflag:$0x3] =	stream.indirect_vreg.gather [hbm4b:s1+s3], $0x80, v4, vm0, $0xb8;
	[tilespmem:$0x18400] =	vst v63  }
0x1f5: {  	_ = 	snop  }
0x1f6: {  	[tilespmem:s2], [sflag:$0x3] =	stream.indirect_vreg.gather [hbm4b:s1+s3], $0x80, v3, vm0, $0xb8;
	[tilespmem:$0x18400] =	vst v63  }
0x1f7: {  	v3 =	vld [tilespmem:$0x2B0];
	_ =	sdelay $0x4  }
0x1f8: {  	v43 =	vshll.u32 v3, $0x1  }
0x1f9: {  	v3 =	vand.u32 $0x7, v3;
	v4 =	vand.u32 $0xFFFFFFF0, v43  }
0x1fa: {  	v3 =	vor.u32 v3, v4  }
0x1fb: {  	v4 =	vperm.xlane v3, v0;
	_ =	sdelay $0x1  }
0x1fc: {  	v3 =	vperm.xlane v3, v2;
	v4 =	vadd.s32 v1, v4;
	_ =	sdelay $0x1  }
0x1fd: {  	v3 =	vadd.s32 v1, v3;
	_ =	sdelay $0x2  }
0x1fe: {  	[tilespmem:s4], [sflag:$0x3] =	stream.indirect_vreg.gather [hbm4b:s1+s3], $0x80, v4, vm0, $0xb8;
	[tilespmem:$0x18400] =	vst v63  }
0x1ff: {  	_ = 	snop  }
0x200: {  	[tilespmem:s6], [sflag:$0x3] =	stream.indirect_vreg.gather [hbm4b:s1+s3], $0x80, v3, vm0, $0xb8;
	[tilespmem:$0x18400] =	vst v63  }
0x201: {  	v3 =	vld [tilespmem:$0x2C0];
	_ =	sdelay $0x4  }
0x202: {  	v44 =	vshll.u32 v3, $0x1  }
0x203: {  	v3 =	vand.u32 $0x7, v3;
	v4 =	vand.u32 $0xFFFFFFF0, v44  }
0x204: {  	v3 =	vor.u32 v3, v4  }
0x205: {  	v4 =	vperm.xlane v3, v0;
	_ =	sdelay $0x1  }
0x206: {  	v3 =	vperm.xlane v3, v2;
	v4 =	vadd.s32 v1, v4;
	_ =	sdelay $0x1  }
0x207: {  	v3 =	vadd.s32 v1, v3;
	_ =	sdelay $0x2  }
0x208: {  	[tilespmem:s8], [sflag:$0x3] =	stream.indirect_vreg.gather [hbm4b:s1+s3], $0x80, v4, vm0, $0xb8;
	[tilespmem:$0x18400] =	vst v63  }
0x209: {  	_ = 	snop  }
0x20a: {  	[tilespmem:s9], [sflag:$0x3] =	stream.indirect_vreg.gather [hbm4b:s1+s3], $0x80, v3, vm0, $0xb8;
	[tilespmem:$0x18400] =	vst v63  }
0x20b: {  	v3 =	vld [tilespmem:$0x2D0];
	_ =	sdelay $0x4  }
0x20c: {  	v45 =	vshll.u32 v3, $0x1  }
0x20d: {  	v3 =	vand.u32 $0x7, v3;
	v4 =	vand.u32 $0xFFFFFFF0, v45  }
0x20e: {  	v3 =	vor.u32 v3, v4  }
0x20f: {  	v4 =	vperm.xlane v3, v0;
	_ =	sdelay $0x1  }
0x210: {  	v3 =	vperm.xlane v3, v2;
	v4 =	vadd.s32 v1, v4;
	_ =	sdelay $0x1  }
0x211: {  	v3 =	vadd.s32 v1, v3;
	_ =	sdelay $0x2  }
0x212: {  	[tilespmem:s20], [sflag:$0x3] =	stream.indirect_vreg.gather [hbm4b:s1+s3], $0x80, v4, vm0, $0xb8;
	[tilespmem:$0x18400] =	vst v63  }
0x213: {  	_ = 	snop  }
0x214: {  	[tilespmem:s21], [sflag:$0x3] =	stream.indirect_vreg.gather [hbm4b:s1+s3], $0x80, v3, vm0, $0xb8;
	[tilespmem:$0x18400] =	vst v63  }
0x215: {  	v3 =	vld [tilespmem:$0x2E0];
	_ =	sdelay $0x4  }
0x216: {  	v46 =	vshll.u32 v3, $0x1  }
0x217: {  	v3 =	vand.u32 $0x7, v3;
	v4 =	vand.u32 $0xFFFFFFF0, v46  }
0x218: {  	v3 =	vor.u32 v3, v4  }
0x219: {  	v4 =	vperm.xlane v3, v0;
	_ =	sdelay $0x1  }
0x21a: {  	v3 =	vperm.xlane v3, v2;
	v4 =	vadd.s32 v1, v4;
	_ =	sdelay $0x1  }
0x21b: {  	v3 =	vadd.s32 v1, v3;
	_ =	sdelay $0x2  }
0x21c: {  	[tilespmem:s22], [sflag:$0x3] =	stream.indirect_vreg.gather [hbm4b:s1+s3], $0x80, v4, vm0, $0xb8;
	[tilespmem:$0x18400] =	vst v63  }
0x21d: {  	_ = 	snop  }
0x21e: {  	[tilespmem:s24], [sflag:$0x3] =	stream.indirect_vreg.gather [hbm4b:s1+s3], $0x80, v3, vm0, $0xb8;
	[tilespmem:$0x18400] =	vst v63  }
0x21f: {  	v3 =	vld [tilespmem:$0x2F0];
	_ =	sdelay $0x4  }
0x220: {  	v47 =	vshll.u32 v3, $0x1  }
0x221: {  	v3 =	vand.u32 $0x7, v3;
	v4 =	vand.u32 $0xFFFFFFF0, v47  }
0x222: {  	v3 =	vor.u32 v3, v4  }
0x223: {  	v4 =	vperm.xlane v3, v0;
	_ =	sdelay $0x1  }
0x224: {  	v3 =	vperm.xlane v3, v2;
	v4 =	vadd.s32 v1, v4;
	_ =	sdelay $0x1  }
0x225: {  	v3 =	vadd.s32 v1, v3;
	_ =	sdelay $0x2  }
0x226: {  	[tilespmem:s25], [sflag:$0x3] =	stream.indirect_vreg.gather [hbm4b:s1+s3], $0x80, v4, vm0, $0xb8;
	[tilespmem:$0x18400] =	vst v63  }
0x227: {  	_ = 	snop  }
0x228: {  	[tilespmem:s26], [sflag:$0x3] =	stream.indirect_vreg.gather [hbm4b:s1+s3], $0x80, v3, vm0, $0xb8;
	[tilespmem:$0x18400] =	vst v63  }
0x229: {  	_ =	swait.ge [sflag:s13], $0x8000  }
0x22a: {  	[sflag:s13] =	ssyncset.done $0x0  }
0x22b: {  	s2 =	rddreg [dreg:$0x7];
	[sflag:s13] =	ssyncadd.s32 $0xFFFF8000  }
0x22c: {  	[hbm4b:s2+s3] =	stream.linear.scatter [tilespmem:s28], [sflag:$0x4], $0x8000, $0x38;
	[tilespmem:$0x18400] =	vst v63  }
0x22d: {  	_ =	swait.ge [sflag:s14], $0x8000  }
0x22e: {  	[sflag:s14] =	ssyncset.done $0x0  }
0x22f: {  	[sflag:s14] =	ssyncadd.s32 $0xFFFF8000  }
0x230: {  	v3 =	vld [tilespmem:$0x300];
	_ =	sdelay $0x4  }
0x231: {  	v48 =	vshll.u32 v3, $0x1  }
0x232: {  	v3 =	vand.u32 $0x7, v3;
	v4 =	vand.u32 $0xFFFFFFF0, v48  }
0x233: {  	v3 =	vor.u32 v3, v4  }
0x234: {  	v4 =	vperm.xlane v3, v0;
	_ =	sdelay $0x1  }
0x235: {  	v3 =	vperm.xlane v3, v2;
	v4 =	vadd.s32 v1, v4;
	_ =	sdelay $0x1  }
0x236: {  	v3 =	vadd.s32 v1, v3;
	_ =	sdelay $0x2  }
0x237: {  	[tilespmem:s28], [sflag:$0x1] =	stream.indirect_vreg.gather [hbm4b:s1+s3], $0x80, v4, vm0, $0xb8;
	[tilespmem:$0x18400] =	vst v63  }
0x238: {  	s19 =	simm.s32 $0xC00  }
0x239: {  	[tilespmem:s19], [sflag:$0x1] =	stream.indirect_vreg.gather [hbm4b:s1+s3], $0x80, v3, vm0, $0xb8;
	[tilespmem:$0x18400] =	vst v63  }
0x23a: {  	v3 =	vld [tilespmem:$0x310];
	_ =	sdelay $0x4  }
0x23b: {  	v49 =	vshll.u32 v3, $0x1  }
0x23c: {  	v3 =	vand.u32 $0x7, v3;
	v4 =	vand.u32 $0xFFFFFFF0, v49  }
0x23d: {  	v3 =	vor.u32 v3, v4  }
0x23e: {  	v4 =	vperm.xlane v3, v0;
	_ =	sdelay $0x1  }
0x23f: {  	v3 =	vperm.xlane v3, v2;
	v4 =	vadd.s32 v1, v4;
	_ =	sdelay $0x1  }
0x240: {  	v3 =	vadd.s32 v1, v3;
	_ =	sdelay $0x1  }
0x241: {  	s19 =	simm.s32 $0x1400  }
0x242: {  	[tilespmem:s19], [sflag:$0x1] =	stream.indirect_vreg.gather [hbm4b:s1+s3], $0x80, v4, vm0, $0xb8;
	[tilespmem:$0x18400] =	vst v63  }
0x243: {  	s19 =	simm.s32 $0x1C00  }
0x244: {  	[tilespmem:s19], [sflag:$0x1] =	stream.indirect_vreg.gather [hbm4b:s1+s3], $0x80, v3, vm0, $0xb8;
	[tilespmem:$0x18400] =	vst v63  }
0x245: {  	v3 =	vld [tilespmem:$0x320];
	_ =	sdelay $0x4  }
0x246: {  	v50 =	vshll.u32 v3, $0x1  }
0x247: {  	v3 =	vand.u32 $0x7, v3;
	v4 =	vand.u32 $0xFFFFFFF0, v50  }
0x248: {  	v3 =	vor.u32 v3, v4  }
0x249: {  	v4 =	vperm.xlane v3, v0;
	_ =	sdelay $0x1  }
0x24a: {  	v3 =	vperm.xlane v3, v2;
	v4 =	vadd.s32 v1, v4;
	_ =	sdelay $0x1  }
0x24b: {  	v3 =	vadd.s32 v1, v3;
	_ =	sdelay $0x1  }
0x24c: {  	s19 =	simm.s32 $0x2400  }
0x24d: {  	[tilespmem:s19], [sflag:$0x1] =	stream.indirect_vreg.gather [hbm4b:s1+s3], $0x80, v4, vm0, $0xb8;
	[tilespmem:$0x18400] =	vst v63  }
0x24e: {  	s19 =	simm.s32 $0x2C00  }
0x24f: {  	[tilespmem:s19], [sflag:$0x1] =	stream.indirect_vreg.gather [hbm4b:s1+s3], $0x80, v3, vm0, $0xb8;
	[tilespmem:$0x18400] =	vst v63  }
0x250: {  	v3 =	vld [tilespmem:$0x330];
	_ =	sdelay $0x4  }
0x251: {  	v51 =	vshll.u32 v3, $0x1  }
0x252: {  	v3 =	vand.u32 $0x7, v3;
	v4 =	vand.u32 $0xFFFFFFF0, v51  }
0x253: {  	v3 =	vor.u32 v3, v4  }
0x254: {  	v4 =	vperm.xlane v3, v0;
	_ =	sdelay $0x1  }
0x255: {  	v3 =	vperm.xlane v3, v2;
	v4 =	vadd.s32 v1, v4;
	_ =	sdelay $0x1  }
0x256: {  	v3 =	vadd.s32 v1, v3;
	_ =	sdelay $0x1  }
0x257: {  	s19 =	simm.s32 $0x3400  }
0x258: {  	[tilespmem:s19], [sflag:$0x1] =	stream.indirect_vreg.gather [hbm4b:s1+s3], $0x80, v4, vm0, $0xb8;
	[tilespmem:$0x18400] =	vst v63  }
0x259: {  	s19 =	simm.s32 $0x3C00  }
0x25a: {  	[tilespmem:s19], [sflag:$0x1] =	stream.indirect_vreg.gather [hbm4b:s1+s3], $0x80, v3, vm0, $0xb8;
	[tilespmem:$0x18400] =	vst v63  }
0x25b: {  	v3 =	vld [tilespmem:$0x340];
	_ =	sdelay $0x4  }
0x25c: {  	v52 =	vshll.u32 v3, $0x1  }
0x25d: {  	v3 =	vand.u32 $0x7, v3;
	v4 =	vand.u32 $0xFFFFFFF0, v52  }
0x25e: {  	v3 =	vor.u32 v3, v4  }
0x25f: {  	v4 =	vperm.xlane v3, v0;
	_ =	sdelay $0x1  }
0x260: {  	v3 =	vperm.xlane v3, v2;
	v4 =	vadd.s32 v1, v4;
	_ =	sdelay $0x1  }
0x261: {  	v3 =	vadd.s32 v1, v3;
	_ =	sdelay $0x2  }
0x262: {  	[tilespmem:s29], [sflag:$0x1] =	stream.indirect_vreg.gather [hbm4b:s1+s3], $0x80, v4, vm0, $0xb8;
	[tilespmem:$0x18400] =	vst v63  }
0x263: {  	_ = 	snop  }
0x264: {  	[tilespmem:s30], [sflag:$0x1] =	stream.indirect_vreg.gather [hbm4b:s1+s3], $0x80, v3, vm0, $0xb8;
	[tilespmem:$0x18400] =	vst v63  }
0x265: {  	v3 =	vld [tilespmem:$0x350];
	_ =	sdelay $0x4  }
0x266: {  	v53 =	vshll.u32 v3, $0x1  }
0x267: {  	v3 =	vand.u32 $0x7, v3;
	v4 =	vand.u32 $0xFFFFFFF0, v53  }
0x268: {  	v3 =	vor.u32 v3, v4  }
0x269: {  	v4 =	vperm.xlane v3, v0;
	_ =	sdelay $0x1  }
0x26a: {  	v3 =	vperm.xlane v3, v2;
	v4 =	vadd.s32 v1, v4;
	_ =	sdelay $0x1  }
0x26b: {  	v3 =	vadd.s32 v1, v3;
	_ =	sdelay $0x2  }
0x26c: {  	[tilespmem:s31], [sflag:$0x1] =	stream.indirect_vreg.gather [hbm4b:s1+s3], $0x80, v4, vm0, $0xb8;
	[tilespmem:$0x18400] =	vst v63  }
0x26d: {  	s19 =	simm.s32 $0x5C00  }
0x26e: {  	[tilespmem:s19], [sflag:$0x1] =	stream.indirect_vreg.gather [hbm4b:s1+s3], $0x80, v3, vm0, $0xb8;
	[tilespmem:$0x18400] =	vst v63  }
0x26f: {  	v3 =	vld [tilespmem:$0x360];
	_ =	sdelay $0x4  }
0x270: {  	v54 =	vshll.u32 v3, $0x1  }
0x271: {  	v3 =	vand.u32 $0x7, v3;
	v4 =	vand.u32 $0xFFFFFFF0, v54  }
0x272: {  	v3 =	vor.u32 v3, v4  }
0x273: {  	v4 =	vperm.xlane v3, v0;
	_ =	sdelay $0x1  }
0x274: {  	v3 =	vperm.xlane v3, v2;
	v4 =	vadd.s32 v1, v4;
	_ =	sdelay $0x1  }
0x275: {  	v3 =	vadd.s32 v1, v3;
	_ =	sdelay $0x1  }
0x276: {  	s19 =	simm.s32 $0x6400  }
0x277: {  	[tilespmem:s19], [sflag:$0x1] =	stream.indirect_vreg.gather [hbm4b:s1+s3], $0x80, v4, vm0, $0xb8;
	[tilespmem:$0x18400] =	vst v63  }
0x278: {  	s19 =	simm.s32 $0x6C00  }
0x279: {  	[tilespmem:s19], [sflag:$0x1] =	stream.indirect_vreg.gather [hbm4b:s1+s3], $0x80, v3, vm0, $0xb8;
	[tilespmem:$0x18400] =	vst v63  }
0x27a: {  	v3 =	vld [tilespmem:$0x370];
	_ =	sdelay $0x4  }
0x27b: {  	v55 =	vshll.u32 v3, $0x1  }
0x27c: {  	v3 =	vand.u32 $0x7, v3;
	v4 =	vand.u32 $0xFFFFFFF0, v55  }
0x27d: {  	v3 =	vor.u32 v3, v4  }
0x27e: {  	v4 =	vperm.xlane v3, v0;
	_ =	sdelay $0x1  }
0x27f: {  	v3 =	vperm.xlane v3, v2;
	v4 =	vadd.s32 v1, v4;
	_ =	sdelay $0x1  }
0x280: {  	v3 =	vadd.s32 v1, v3;
	_ =	sdelay $0x1  }
0x281: {  	s19 =	simm.s32 $0x7400  }
0x282: {  	[tilespmem:s19], [sflag:$0x1] =	stream.indirect_vreg.gather [hbm4b:s1+s3], $0x80, v4, vm0, $0xb8;
	[tilespmem:$0x18400] =	vst v63  }
0x283: {  	s19 =	simm.s32 $0x7C00  }
0x284: {  	[tilespmem:s19], [sflag:$0x1] =	stream.indirect_vreg.gather [hbm4b:s1+s3], $0x80, v3, vm0, $0xb8;
	[tilespmem:$0x18400] =	vst v63  }
0x285: {  	_ =	swait.ge [sflag:s15], $0x8000  }
0x286: {  	[sflag:s15] =	ssyncset.done $0x0  }
0x287: {  	s2 =	rddreg [dreg:$0x8];
	[sflag:s15] =	ssyncadd.s32 $0xFFFF8000  }
0x288: {  	[hbm4b:s2+s3] =	stream.linear.scatter [tilespmem:s23], [sflag:$0x5], $0x8000, $0x38;
	[tilespmem:$0x18400] =	vst v63  }
0x289: {  	_ =	swait.ge [sflag:s16], $0x8000  }
0x28a: {  	[sflag:s16] =	ssyncset.done $0x0  }
0x28b: {  	[sflag:s16] =	ssyncadd.s32 $0xFFFF8000  }
0x28c: {  	v3 =	vld [tilespmem:$0x380];
	_ =	sdelay $0x4  }
0x28d: {  	v56 =	vshll.u32 v3, $0x1  }
0x28e: {  	v3 =	vand.u32 $0x7, v3;
	v4 =	vand.u32 $0xFFFFFFF0, v56  }
0x28f: {  	v3 =	vor.u32 v3, v4  }
0x290: {  	v4 =	vperm.xlane v3, v0;
	_ =	sdelay $0x1  }
0x291: {  	v3 =	vperm.xlane v3, v2;
	v4 =	vadd.s32 v1, v4;
	_ =	sdelay $0x1  }
0x292: {  	v3 =	vadd.s32 v1, v3;
	_ =	sdelay $0x2  }
0x293: {  	[tilespmem:s23], [sflag:$0x2] =	stream.indirect_vreg.gather [hbm4b:s1+s3], $0x80, v4, vm0, $0xb8;
	[tilespmem:$0x18400] =	vst v63  }
0x294: {  	s19 =	simm.s32 $0x8C00  }
0x295: {  	[tilespmem:s19], [sflag:$0x2] =	stream.indirect_vreg.gather [hbm4b:s1+s3], $0x80, v3, vm0, $0xb8;
	[tilespmem:$0x18400] =	vst v63  }
0x296: {  	v3 =	vld [tilespmem:$0x390];
	_ =	sdelay $0x4  }
0x297: {  	v57 =	vshll.u32 v3, $0x1  }
0x298: {  	v3 =	vand.u32 $0x7, v3;
	v4 =	vand.u32 $0xFFFFFFF0, v57  }
0x299: {  	v3 =	vor.u32 v3, v4  }
0x29a: {  	v4 =	vperm.xlane v3, v0;
	_ =	sdelay $0x1  }
0x29b: {  	v3 =	vperm.xlane v3, v2;
	v4 =	vadd.s32 v1, v4;
	_ =	sdelay $0x1  }
0x29c: {  	v3 =	vadd.s32 v1, v3;
	_ =	sdelay $0x1  }
0x29d: {  	s19 =	simm.s32 $0x9400  }
0x29e: {  	[tilespmem:s19], [sflag:$0x2] =	stream.indirect_vreg.gather [hbm4b:s1+s3], $0x80, v4, vm0, $0xb8;
	[tilespmem:$0x18400] =	vst v63  }
0x29f: {  	s19 =	simm.s32 $0x9C00  }
0x2a0: {  	[tilespmem:s19], [sflag:$0x2] =	stream.indirect_vreg.gather [hbm4b:s1+s3], $0x80, v3, vm0, $0xb8;
	[tilespmem:$0x18400] =	vst v63  }
0x2a1: {  	v3 =	vld [tilespmem:$0x3A0];
	_ =	sdelay $0x4  }
0x2a2: {  	v58 =	vshll.u32 v3, $0x1  }
0x2a3: {  	v3 =	vand.u32 $0x7, v3;
	v4 =	vand.u32 $0xFFFFFFF0, v58  }
0x2a4: {  	v3 =	vor.u32 v3, v4  }
0x2a5: {  	v4 =	vperm.xlane v3, v0;
	_ =	sdelay $0x1  }
0x2a6: {  	v3 =	vperm.xlane v3, v2;
	v4 =	vadd.s32 v1, v4;
	_ =	sdelay $0x1  }
0x2a7: {  	v3 =	vadd.s32 v1, v3;
	_ =	sdelay $0x1  }
0x2a8: {  	s19 =	simm.s32 $0xA400  }
0x2a9: {  	[tilespmem:s19], [sflag:$0x2] =	stream.indirect_vreg.gather [hbm4b:s1+s3], $0x80, v4, vm0, $0xb8;
	[tilespmem:$0x18400] =	vst v63  }
0x2aa: {  	s19 =	simm.s32 $0xAC00  }
0x2ab: {  	[tilespmem:s19], [sflag:$0x2] =	stream.indirect_vreg.gather [hbm4b:s1+s3], $0x80, v3, vm0, $0xb8;
	[tilespmem:$0x18400] =	vst v63  }
0x2ac: {  	v3 =	vld [tilespmem:$0x3B0];
	_ =	sdelay $0x4  }
0x2ad: {  	v59 =	vshll.u32 v3, $0x1  }
0x2ae: {  	v3 =	vand.u32 $0x7, v3;
	v4 =	vand.u32 $0xFFFFFFF0, v59  }
0x2af: {  	v3 =	vor.u32 v3, v4  }
0x2b0: {  	v4 =	vperm.xlane v3, v0;
	_ =	sdelay $0x1  }
0x2b1: {  	v3 =	vperm.xlane v3, v2;
	v4 =	vadd.s32 v1, v4;
	_ =	sdelay $0x1  }
0x2b2: {  	v3 =	vadd.s32 v1, v3;
	_ =	sdelay $0x1  }
0x2b3: {  	s19 =	simm.s32 $0xB400  }
0x2b4: {  	[tilespmem:s19], [sflag:$0x2] =	stream.indirect_vreg.gather [hbm4b:s1+s3], $0x80, v4, vm0, $0xb8;
	[tilespmem:$0x18400] =	vst v63  }
0x2b5: {  	s19 =	simm.s32 $0xBC00  }
0x2b6: {  	[tilespmem:s19], [sflag:$0x2] =	stream.indirect_vreg.gather [hbm4b:s1+s3], $0x80, v3, vm0, $0xb8;
	[tilespmem:$0x18400] =	vst v63  }
0x2b7: {  	v3 =	vld [tilespmem:$0x3C0];
	_ =	sdelay $0x4  }
0x2b8: {  	v60 =	vshll.u32 v3, $0x1  }
0x2b9: {  	v3 =	vand.u32 $0x7, v3;
	v4 =	vand.u32 $0xFFFFFFF0, v60  }
0x2ba: {  	v3 =	vor.u32 v3, v4  }
0x2bb: {  	v4 =	vperm.xlane v3, v0;
	_ =	sdelay $0x1  }
0x2bc: {  	v3 =	vperm.xlane v3, v2;
	v4 =	vadd.s32 v1, v4;
	_ =	sdelay $0x1  }
0x2bd: {  	v3 =	vadd.s32 v1, v3;
	_ =	sdelay $0x1  }
0x2be: {  	s19 =	simm.s32 $0xC400  }
0x2bf: {  	[tilespmem:s19], [sflag:$0x2] =	stream.indirect_vreg.gather [hbm4b:s1+s3], $0x80, v4, vm0, $0xb8;
	[tilespmem:$0x18400] =	vst v63  }
0x2c0: {  	s19 =	simm.s32 $0xCC00  }
0x2c1: {  	[tilespmem:s19], [sflag:$0x2] =	stream.indirect_vreg.gather [hbm4b:s1+s3], $0x80, v3, vm0, $0xb8;
	[tilespmem:$0x18400] =	vst v63  }
0x2c2: {  	v3 =	vld [tilespmem:$0x3D0];
	_ =	sdelay $0x4  }
0x2c3: {  	v61 =	vshll.u32 v3, $0x1  }
0x2c4: {  	v3 =	vand.u32 $0x7, v3;
	v4 =	vand.u32 $0xFFFFFFF0, v61  }
0x2c5: {  	v3 =	vor.u32 v3, v4  }
0x2c6: {  	v4 =	vperm.xlane v3, v0;
	_ =	sdelay $0x1  }
0x2c7: {  	v3 =	vperm.xlane v3, v2;
	v4 =	vadd.s32 v1, v4;
	_ =	sdelay $0x1  }
0x2c8: {  	v3 =	vadd.s32 v1, v3;
	_ =	sdelay $0x1  }
0x2c9: {  	s19 =	simm.s32 $0xD400  }
0x2ca: {  	[tilespmem:s19], [sflag:$0x2] =	stream.indirect_vreg.gather [hbm4b:s1+s3], $0x80, v4, vm0, $0xb8;
	[tilespmem:$0x18400] =	vst v63  }
0x2cb: {  	s19 =	simm.s32 $0xDC00  }
0x2cc: {  	[tilespmem:s19], [sflag:$0x2] =	stream.indirect_vreg.gather [hbm4b:s1+s3], $0x80, v3, vm0, $0xb8;
	[tilespmem:$0x18400] =	vst v63  }
0x2cd: {  	v3 =	vld [tilespmem:$0x3E0];
	_ =	sdelay $0x4  }
0x2ce: {  	v62 =	vshll.u32 v3, $0x1  }
0x2cf: {  	v3 =	vand.u32 $0x7, v3;
	v4 =	vand.u32 $0xFFFFFFF0, v62  }
0x2d0: {  	v3 =	vor.u32 v3, v4  }
0x2d1: {  	v4 =	vperm.xlane v3, v0;
	_ =	sdelay $0x1  }
0x2d2: {  	v3 =	vperm.xlane v3, v2;
	v4 =	vadd.s32 v1, v4;
	_ =	sdelay $0x1  }
0x2d3: {  	v3 =	vadd.s32 v1, v3;
	_ =	sdelay $0x1  }
0x2d4: {  	s19 =	simm.s32 $0xE400  }
0x2d5: {  	[tilespmem:s19], [sflag:$0x2] =	stream.indirect_vreg.gather [hbm4b:s1+s3], $0x80, v4, vm0, $0xb8;
	[tilespmem:$0x18400] =	vst v63  }
0x2d6: {  	s19 =	simm.s32 $0xEC00  }
0x2d7: {  	[tilespmem:s19], [sflag:$0x2] =	stream.indirect_vreg.gather [hbm4b:s1+s3], $0x80, v3, vm0, $0xb8;
	[tilespmem:$0x18400] =	vst v63  }
0x2d8: {  	v3 =	vld [tilespmem:$0x3F0];
	_ =	sdelay $0x4  }
0x2d9: {  	v63 =	vshll.u32 v3, $0x1  }
0x2da: {  	v3 =	vand.u32 $0x7, v3;
	v4 =	vand.u32 $0xFFFFFFF0, v63  }
0x2db: {  	v3 =	vor.u32 v3, v4  }
0x2dc: {  	v4 =	vperm.xlane v3, v0;
	_ =	sdelay $0x1  }
0x2dd: {  	v3 =	vperm.xlane v3, v2;
	v4 =	vadd.s32 v1, v4;
	_ =	sdelay $0x1  }
0x2de: {  	v3 =	vadd.s32 v1, v3;
	_ =	sdelay $0x1  }
0x2df: {  	s19 =	simm.s32 $0xF400  }
0x2e0: {  	[tilespmem:s19], [sflag:$0x2] =	stream.indirect_vreg.gather [hbm4b:s1+s3], $0x80, v4, vm0, $0xb8;
	[tilespmem:$0x18400] =	vst v63  }
0x2e1: {  	s19 =	simm.s32 $0xFC00  }
0x2e2: {  	[tilespmem:s19], [sflag:$0x2] =	stream.indirect_vreg.gather [hbm4b:s1+s3], $0x80, v3, vm0, $0xb8;
	[tilespmem:$0x18400] =	vst v63  }
0x2e3: {  	_ =	swait.ge [sflag:s17], $0x8000  }
0x2e4: {  	[sflag:s17] =	ssyncset.done $0x0  }
0x2e5: {  	s2 =	rddreg [dreg:$0x9];
	[sflag:s17] =	ssyncadd.s32 $0xFFFF8000  }
0x2e6: {  	[hbm4b:s2+s3] =	stream.linear.scatter [tilespmem:s0], [sflag:$0x6], $0x8000, $0x38;
	[tilespmem:$0x18400] =	vst v63  }
0x2e7: {  	_ =	swait.ge [sflag:s13], $0x8000  }
0x2e8: {  	[sflag:s13] =	ssyncset.done $0x0  }
0x2e9: {  	s0 =	rddreg [dreg:$0xa];
	[sflag:s13] =	ssyncadd.s32 $0xFFFF8000  }
0x2ea: {  	[hbm4b:s0+s3] =	stream.linear.scatter [tilespmem:s28], [sflag:$0x4], $0x8000, $0x38;
	[tilespmem:$0x18400] =	vst v63  }
0x2eb: {  	_ =	swait.ge [sflag:s15], $0x8000  }
0x2ec: {  	[sflag:s15] =	ssyncset.done $0x0  }
0x2ed: {  	s2 =	rddreg [dreg:$0xb];
	[sflag:s15] =	ssyncadd.s32 $0xFFFF8000  }
0x2ee: {  	[hbm4b:s2+s3] =	stream.linear.scatter [tilespmem:s23], [sflag:$0x5], $0x8000, $0x38;
	[tilespmem:$0x18400] =	vst v63  }
0x2ef: {  	_ =	swait.ge [sflag:s14], $0x8000  }
0x2f0: {  	[sflag:s14] =	ssyncset.done $0x0  }
0x2f1: {  	[sflag:s14] =	ssyncadd.s32 $0xFFFF8000  }
0x2f2: {  	p0 =	sne.s32 s5, $0x1;
	_ =	swait.ge [sflag:s16], $0x8000  }
.Ltmp0:
0x2f3: {  	[sflag:s16] =	ssyncset.done $0x0;
	(pc) =	sbr.rel @p0 .LBB2_1-.Ltmp0, $4  }
0x2f4: {  	[sflag:s16] =	ssyncadd.s32 $0xFFFF8000  }
0x2f5: {  	_ =	swait.ge [sflag:s18], $0x8000  }
0x2f6: {  	[sflag:s18] =	ssyncset.done $0x0  }
0x2f7: {  	s5 =	sadd.s32 $0xFFFFFFFF, s5;
	[sflag:s18] =	ssyncadd.s32 $0xFFFF8000  }
0x2f8: {  	_ =	sfence.sel $0x180000  }
0x2f9: {  	[bflag:$0x0] =	sbarrier.arrive $0xFFFF  }
0x2fa: {  	_ =	strace $0x90000047  }
0x2fb: {  	s0 =	stileid.u32;
	[bflag:$0x2] =	sbarrier.arrive $0xFFFF  }
0x2fc: {  	p0 =	sne.s32 s0, $0x0;
	s0 =	rddreg [dreg:$0x3]  }
0x2fd: {  	s0 =	sadd.s32 @!p0 $0x100000, s0  }
0x2fe: {  	[sflag:s0] =	ssyncadd.tile.s32 @!p0 $0x1;
	_ =	shalt  }
.Lfunc_end2:
_tile_overlayer_lowered:
.L_overlay_start_2:
0x2ff: {  	(tag) =	ssettag $0x2  }
0x300: {  	s0 =	rddreg [dreg:$0x0];
	s2 =	stileid.u32  }
0x301: {  	s1 =	rddreg [dreg:$0x1];
	p0 =	sne.s32 s2, $0x0  }
0x302: {  	s3 =	rddreg [dreg:$0x2];
	[bflag:$0x3] =	sbarrier.arrive $0xFFFF;
	s2 =	simm.s32 @!p0 $0x1C07  }
0x303: {  	[timem:s3], [sflag:s2] =	dma.local @!p0 [hbm:s0], s1  }
0x304: {  	s0 =	simm.s32 @!p0 $0x7  }
0x305: {  	_ =	swait.ge @!p0 [sflag:s0], s1  }
0x306: {  	s1 =	ssub.s32 @!p0 $0x0, s1;
	[sflag:s0] =	ssyncset.done @!p0 $0x0  }
0x307: {  	[sflag:s0] =	ssyncadd.s32 @!p0 s1  }
0x308: {  	[bflag:$0x3] =	sbarrier.arrive $0xFFFF  }
0x309: {  	_ =	shalt  }

</sc_bundles>
